<compile_context>
chip_gen: v7x
topology: tpu7x:2x2x1
jax: 0.10.2.dev20260603
libtpu: 0.0.44.dev20260713+nightly
codegen_flags: <defaults>
</compile_context>

<pallas_src>
import functools

import jax
import jax.numpy as jnp
from jax import lax
from jax.experimental import pallas as pl
from jax.experimental.pallas import tpu as pltpu
from jax.experimental.pallas import tpu_sc as plsc

NC = 2
NS = 16
L = 16
SUNROLL = 4


def _make_kernel(B, S, V, E):
    NW = NC * NS
    assert B % NW == 0 and B // NW % 2 == 0 and S % SUNROLL == 0
    IPW = B // NW
    OP = S + 1

    chunks = []
    off = 0
    while off < S:
        n = min(128, S - off)
        chunks.append((off, n))
        off += n

    mesh = plsc.VectorSubcoreMesh(
        core_axis_name="c", subcore_axis_name="s", num_cores=NC, num_subcores=NS
    )

    @functools.partial(
        pl.kernel,
        out_type=jax.ShapeDtypeStruct((B, E, S), jnp.float32),
        mesh=mesh,
        scratch_types=[
            pltpu.VMEM((IPW, S), jnp.int32),
            pltpu.VMEM((S, E), jnp.float32),
            pltpu.VMEM((S, E), jnp.float32),
            pltpu.VMEM((E, OP), jnp.float32),
            pltpu.VMEM((E, OP), jnp.float32),
            pltpu.SemaphoreType.DMA,
            pltpu.SemaphoreType.DMA,
            pltpu.SemaphoreType.DMA,
            pltpu.SemaphoreType.DMA,
        ],
        compiler_params=pltpu.CompilerParams(
            use_tc_tiling_on_sc=False, needs_layout_passes=False
        ),
    )
    def k(inputs_hbm, table_hbm, out_hbm, idx_v, rows_a, rows_b, out_a, out_b,
          gsem_a, gsem_b, wsem_a, wsem_b):
        wid = lax.axis_index("s") * NC + lax.axis_index("c")
        base_b = wid * IPW

        pltpu.sync_copy(inputs_hbm.at[pl.ds(base_b, IPW), :], idx_v)

        eidx = [jnp.arange(L, dtype=jnp.int32) + j * L for j in range(E // L)]
        rows = (rows_a, rows_b)
        outs = (out_a, out_b)
        gsems = (gsem_a, gsem_b)
        wsems = (wsem_a, wsem_b)

        def start_gather(item, p):
            for (o, n) in chunks:
                pltpu.async_copy(
                    table_hbm.at[idx_v.at[item, pl.ds(o, n)]],
                    rows[p].at[pl.ds(o, n), :],
                    gsems[p],
                )

        def wait_gather(p):
            for (o, n) in chunks:
                pltpu.make_async_copy(
                    table_hbm.at[pl.ds(0, n), :], rows[p].at[pl.ds(o, n), :],
                    gsems[p],
                ).wait()

        def start_write(item, p):
            pltpu.async_copy(
                outs[p].at[:, pl.ds(0, S)], out_hbm.at[base_b + item], wsems[p]
            )

        def wait_write(p):
            pltpu.make_async_copy(
                out_hbm.at[0], outs[p].at[:, pl.ds(0, S)], wsems[p]
            ).wait()

        def transpose(p):
            rv, ov = rows[p], outs[p]

            def s_body(i, c):
                s0 = i * SUNROLL
                for u in range(SUNROLL):
                    s = s0 + u
                    sv = jnp.full((L,), s, dtype=jnp.int32)
                    for j in range(E // L):
                        v = rv[s, pl.ds(j * L, L)]
                        plsc.store_scatter(ov, [eidx[j], sv], v)
                return c

            lax.fori_loop(0, S // SUNROLL, s_body, None)

        def process(item, p, it):
            @pl.when(item + 1 < IPW)
            def _():
                start_gather(item + 1, 1 - p)

            with jax.named_scope("wait_gather"):
                wait_gather(p)

            with jax.named_scope("wait_write"):
                @pl.when(it >= 1)
                def _():
                    wait_write(p)

            with jax.named_scope("transpose"):
                transpose(p)
            start_write(item, p)

        start_gather(0, 0)

        def pair_body(it, c):
            process(2 * it, 0, it)
            process(2 * it + 1, 1, it)
            return c

        lax.fori_loop(0, IPW // 2, pair_body, None)
        wait_write(0)
        wait_write(1)

    return k


def kernel(inputs, table):
    B, S = inputs.shape
    V, E = table.shape
    inputs = inputs.astype(jnp.int32)
    k = _make_kernel(B, S, V, E)
    return k(inputs, table)

# --- scband reference (transcript-rebuilt; emitter-appended) ---
"""Pipeline reference for scband-transpose-embed-21887153340704 (READ-ONLY COPY).

The authoritative reference and input builder live on the scoring server;
editing this copy changes nothing except your own understanding.
"""

import jax, jax.numpy as jnp
import numpy as np

VOCAB = 100000
EMBED = 64
BATCH = 4096
SEQ = 200

def setup_inputs(seed: int = 0) -> dict:
    key = jax.random.key(seed)
    k1, k2 = jax.random.split(key)
    inputs = jax.random.randint(k1, (BATCH, SEQ), 0, VOCAB, dtype=jnp.int64 if jax.config.jax_enable_x64 else jnp.int32)
    table = jax.random.normal(k2, (VOCAB, EMBED), dtype=jnp.float32)
    return {"inputs": inputs, "table": table}

def reference(inputs, table):
    # nn.Embedding lookup: gather rows from table
    emb = jnp.take(table, inputs, axis=0)  # [B, S, E]
    # permute(0, 2, 1) -> [B, E, S]
    return jnp.transpose(emb, (0, 2, 1))

if __name__ == "__main__":
    import jax
    _d = setup_inputs()
    print(jax.jit(kernel)(*tuple(_d.values())))

</pallas_src>

<mosaic_0001>
#map = affine_map<(d0, d1) -> (0, 0)>
#map1 = affine_map<(d0, d1) -> (0, 0, 0)>
module attributes {stable_mosaic.version = 14 : i64} {
  func.func @k(%arg0: i32, %arg1: i32, %arg2: memref<4096x200xi32, #tpu.memory_space<hbm>>, %arg3: memref<100000x64xf32, #tpu.memory_space<hbm>>, %arg4: memref<4096x64x200xf32, #tpu.memory_space<hbm>>, %arg5: memref<128x200xi32, #tpu.memory_space<vmem>>, %arg6: memref<200x64xf32, #tpu.memory_space<vmem>>, %arg7: memref<200x64xf32, #tpu.memory_space<vmem>>, %arg8: memref<64x201xf32, #tpu.memory_space<vmem>>, %arg9: memref<64x201xf32, #tpu.memory_space<vmem>>, %arg10: memref<!tpu.dma_semaphore, #tpu.memory_space<semaphore_mem>>, %arg11: memref<!tpu.dma_semaphore, #tpu.memory_space<semaphore_mem>>, %arg12: memref<!tpu.dma_semaphore, #tpu.memory_space<semaphore_mem>>, %arg13: memref<!tpu.dma_semaphore, #tpu.memory_space<semaphore_mem>>) attributes {dimension_semantics = [#tpu.dimension_semantics<core_parallel>, #tpu.dimension_semantics<subcore_parallel>], iteration_bounds = array<i64: 2, 16>, scalar_prefetch = 0 : i64, scratch_operands = 9 : i64, tpu.core_type = #tpu.core_type<sc_vector_subcore>, window_params = [{transform_indices = #map}, {transform_indices = #map}, {transform_indices = #map1}]} {
    %mul3A = arith.constant 2 : i32
    %mul3A_0 = arith.muli %arg1, %mul3A : i32
    %add3A = arith.addi %mul3A_0, %arg0 : i32
    %mul3A_1 = arith.constant 128 : i32
    %mul3A_2 = arith.muli %add3A, %mul3A_1 : i32
    "tpu.region"() ({
      %run_scoped3A = tpu.sem_alloc : memref<!tpu.dma_semaphore, #tpu.memory_space<semaphore_mem>>
      %dma_start3A_70 = arith.constant 0 : i32
      %dma_start3A_71 = tpu.memref_slice %arg2[%mul3A_2, %dma_start3A_70] : memref<4096x200xi32, #tpu.memory_space<hbm>> -> memref<128x200xi32, #tpu.memory_space<hbm>>
      %dma_start3A_72 = arith.constant 0 : i32
      %dma_start3A_73 = tpu.memref_slice %arg2[%mul3A_2, %dma_start3A_72] : memref<4096x200xi32, #tpu.memory_space<hbm>> -> memref<128x200xi32, #tpu.memory_space<hbm>>
      tpu.enqueue_dma source(%dma_start3A_73 : memref<128x200xi32, #tpu.memory_space<hbm>>) target(%arg5 : memref<128x200xi32, #tpu.memory_space<vmem>>) target_semaphore(%run_scoped3A : memref<!tpu.dma_semaphore, #tpu.memory_space<semaphore_mem>>)
      %dma_wait3A_74 = arith.constant 0 : i32
      %dma_wait3A_75 = tpu.memref_slice %arg2[%mul3A_2, %dma_wait3A_74] : memref<4096x200xi32, #tpu.memory_space<hbm>> -> memref<128x200xi32, #tpu.memory_space<hbm>>
      %dma_wait3A_76 = arith.constant 0 : i32
      %dma_wait3A_77 = tpu.memref_slice %arg2[%mul3A_2, %dma_wait3A_76] : memref<4096x200xi32, #tpu.memory_space<hbm>> -> memref<128x200xi32, #tpu.memory_space<hbm>>
      tpu.wait_dma2 semaphore(%run_scoped3A : memref<!tpu.dma_semaphore, #tpu.memory_space<semaphore_mem>>) src(%dma_wait3A_77 : memref<128x200xi32, #tpu.memory_space<hbm>>) dst(%arg5 : memref<128x200xi32, #tpu.memory_space<vmem>>)
      tpu.yield
    }) : () -> ()
    %iota3A = tpu.iota {dimensions = array<i32: 0>} : vector<16xi32>
    %add3A_3 = arith.constant 0 : i32
    %add3A_4 = vector.broadcast %add3A_3 : i32 to vector<16xi32>
    %add3A_5 = arith.addi %iota3A, %add3A_4 : vector<16xi32>
    %iota3A_6 = tpu.iota {dimensions = array<i32: 0>} : vector<16xi32>
    %add3A_7 = arith.constant 16 : i32
    %add3A_8 = vector.broadcast %add3A_7 : i32 to vector<16xi32>
    %add3A_9 = arith.addi %iota3A_6, %add3A_8 : vector<16xi32>
    %iota3A_10 = tpu.iota {dimensions = array<i32: 0>} : vector<16xi32>
    %add3A_11 = arith.constant 32 : i32
    %add3A_12 = vector.broadcast %add3A_11 : i32 to vector<16xi32>
    %add3A_13 = arith.addi %iota3A_10, %add3A_12 : vector<16xi32>
    %iota3A_14 = tpu.iota {dimensions = array<i32: 0>} : vector<16xi32>
    %add3A_15 = arith.constant 48 : i32
    %add3A_16 = vector.broadcast %add3A_15 : i32 to vector<16xi32>
    %add3A_17 = arith.addi %iota3A_14, %add3A_16 : vector<16xi32>
    %dma_start3A = arith.constant 0 : i32
    %dma_start3A_18 = arith.constant 0 : i32
    %dma_start3A_19 = arith.constant 0 : i32
    %dma_start3A_20 = tpu.memref_slice %arg6[%dma_start3A_18, %dma_start3A_19] : memref<200x64xf32, #tpu.memory_space<vmem>> -> memref<128x64xf32, #tpu.memory_space<vmem>>
    %dma_start3A_21 = arith.constant 0 : i32
    %dma_start3A_22 = tpu.memref_slice %arg5[%dma_start3A, %dma_start3A_21] : memref<128x200xi32, #tpu.memory_space<vmem>> -> memref<1x128xi32, #tpu.memory_space<vmem>>
    %dma_start3A_23 = tpu.memref_squeeze %dma_start3A_22 : memref<1x128xi32, #tpu.memory_space<vmem>> -> memref<128xi32, #tpu.memory_space<vmem>>
    %dma_start3A_24 = arith.constant 0 : i32
    %dma_start3A_25 = arith.constant 0 : i32
    %dma_start3A_26 = tpu.memref_slice %arg3[%dma_start3A_24, %dma_start3A_25] : memref<100000x64xf32, #tpu.memory_space<hbm>> -> memref<100000x64xf32, #tpu.memory_space<hbm>>
    tpu.enqueue_indirect_dma source(%dma_start3A_26 : memref<100000x64xf32, #tpu.memory_space<hbm>>) target(%dma_start3A_20 : memref<128x64xf32, #tpu.memory_space<vmem>>) offsets(%dma_start3A_23 : memref<128xi32, #tpu.memory_space<vmem>>) semaphore(%arg10 : memref<!tpu.dma_semaphore, #tpu.memory_space<semaphore_mem>>)
    %dma_start3A_27 = arith.constant 0 : i32
    %dma_start3A_28 = arith.constant 128 : i32
    %dma_start3A_29 = arith.constant 0 : i32
    %dma_start3A_30 = tpu.memref_slice %arg6[%dma_start3A_28, %dma_start3A_29] : memref<200x64xf32, #tpu.memory_space<vmem>> -> memref<72x64xf32, #tpu.memory_space<vmem>>
    %dma_start3A_31 = arith.constant 128 : i32
    %dma_start3A_32 = tpu.memref_slice %arg5[%dma_start3A_27, %dma_start3A_31] : memref<128x200xi32, #tpu.memory_space<vmem>> -> memref<1x72xi32, #tpu.memory_space<vmem>>
    %dma_start3A_33 = tpu.memref_squeeze %dma_start3A_32 : memref<1x72xi32, #tpu.memory_space<vmem>> -> memref<72xi32, #tpu.memory_space<vmem>>
    %dma_start3A_34 = arith.constant 0 : i32
    %dma_start3A_35 = arith.constant 0 : i32
    %dma_start3A_36 = tpu.memref_slice %arg3[%dma_start3A_34, %dma_start3A_35] : memref<100000x64xf32, #tpu.memory_space<hbm>> -> memref<100000x64xf32, #tpu.memory_space<hbm>>
    tpu.enqueue_indirect_dma source(%dma_start3A_36 : memref<100000x64xf32, #tpu.memory_space<hbm>>) target(%dma_start3A_30 : memref<72x64xf32, #tpu.memory_space<vmem>>) offsets(%dma_start3A_33 : memref<72xi32, #tpu.memory_space<vmem>>) semaphore(%arg10 : memref<!tpu.dma_semaphore, #tpu.memory_space<semaphore_mem>>)
    %scan3A = arith.constant 0 : i32
    %scan3A_37 = arith.constant 64 : i32
    %scan3A_38 = arith.addi %scan3A, %scan3A_37 : i32
    %scan3A_39 = arith.constant 1 : i32
    scf.for %scan3A_70 = %scan3A to %scan3A_38 step %scan3A_39  : i32 {
      %mul3A_71 = arith.constant 2 : i32
      %mul3A_72 = arith.muli %mul3A_71, %scan3A_70 : i32
      %add3A_73 = arith.constant 1 : i32
      %add3A_74 = arith.addi %mul3A_72, %add3A_73 : i32
      %lt3A = arith.constant 128 : i32
      %lt3A_75 = arith.cmpi slt, %add3A_74, %lt3A : i32
      %convert_element_type3A = arith.extui %lt3A_75 : i1 to i32
      %cond3A = arith.constant 0 : i32
      %cond3A_76 = arith.cmpi ne, %convert_element_type3A, %cond3A : i32
      scf.if %cond3A_76 {
        %add3A_185 = arith.constant 1 : i32
        %add3A_186 = arith.addi %mul3A_72, %add3A_185 : i32
        %dma_start3A_187 = arith.constant 0 : i32
        %dma_start3A_188 = arith.constant 0 : i32
        %dma_start3A_189 = tpu.memref_slice %arg7[%dma_start3A_187, %dma_start3A_188] : memref<200x64xf32, #tpu.memory_space<vmem>> -> memref<128x64xf32, #tpu.memory_space<vmem>>
        %dma_start3A_190 = arith.constant 0 : i32
        %dma_start3A_191 = tpu.memref_slice %arg5[%add3A_186, %dma_start3A_190] : memref<128x200xi32, #tpu.memory_space<vmem>> -> memref<1x128xi32, #tpu.memory_space<vmem>>
        %dma_start3A_192 = tpu.memref_squeeze %dma_start3A_191 : memref<1x128xi32, #tpu.memory_space<vmem>> -> memref<128xi32, #tpu.memory_space<vmem>>
        %dma_start3A_193 = arith.constant 0 : i32
        %dma_start3A_194 = arith.constant 0 : i32
        %dma_start3A_195 = tpu.memref_slice %arg3[%dma_start3A_193, %dma_start3A_194] : memref<100000x64xf32, #tpu.memory_space<hbm>> -> memref<100000x64xf32, #tpu.memory_space<hbm>>
        tpu.enqueue_indirect_dma source(%dma_start3A_195 : memref<100000x64xf32, #tpu.memory_space<hbm>>) target(%dma_start3A_189 : memref<128x64xf32, #tpu.memory_space<vmem>>) offsets(%dma_start3A_192 : memref<128xi32, #tpu.memory_space<vmem>>) semaphore(%arg11 : memref<!tpu.dma_semaphore, #tpu.memory_space<semaphore_mem>>)
        %dma_start3A_196 = arith.constant 128 : i32
        %dma_start3A_197 = arith.constant 0 : i32
        %dma_start3A_198 = tpu.memref_slice %arg7[%dma_start3A_196, %dma_start3A_197] : memref<200x64xf32, #tpu.memory_space<vmem>> -> memref<72x64xf32, #tpu.memory_space<vmem>>
        %dma_start3A_199 = arith.constant 128 : i32
        %dma_start3A_200 = tpu.memref_slice %arg5[%add3A_186, %dma_start3A_199] : memref<128x200xi32, #tpu.memory_space<vmem>> -> memref<1x72xi32, #tpu.memory_space<vmem>>
        %dma_start3A_201 = tpu.memref_squeeze %dma_start3A_200 : memref<1x72xi32, #tpu.memory_space<vmem>> -> memref<72xi32, #tpu.memory_space<vmem>>
        %dma_start3A_202 = arith.constant 0 : i32
        %dma_start3A_203 = arith.constant 0 : i32
        %dma_start3A_204 = tpu.memref_slice %arg3[%dma_start3A_202, %dma_start3A_203] : memref<100000x64xf32, #tpu.memory_space<hbm>> -> memref<100000x64xf32, #tpu.memory_space<hbm>>
        tpu.enqueue_indirect_dma source(%dma_start3A_204 : memref<100000x64xf32, #tpu.memory_space<hbm>>) target(%dma_start3A_198 : memref<72x64xf32, #tpu.memory_space<vmem>>) offsets(%dma_start3A_201 : memref<72xi32, #tpu.memory_space<vmem>>) semaphore(%arg11 : memref<!tpu.dma_semaphore, #tpu.memory_space<semaphore_mem>>)
      } else {
      }
      "tpu.trace_start"() <{level = 10 : i32, message = "wait_gather"}> : () -> ()
      %dma_wait3A_77 = arith.constant 0 : i32
      %dma_wait3A_78 = arith.constant 0 : i32
      %dma_wait3A_79 = tpu.memref_slice %arg6[%dma_wait3A_77, %dma_wait3A_78] : memref<200x64xf32, #tpu.memory_space<vmem>> -> memref<128x64xf32, #tpu.memory_space<vmem>>
      %dma_wait3A_80 = arith.constant 0 : i32
      %dma_wait3A_81 = arith.constant 0 : i32
      %dma_wait3A_82 = tpu.memref_slice %arg3[%dma_wait3A_80, %dma_wait3A_81] : memref<100000x64xf32, #tpu.memory_space<hbm>> -> memref<128x64xf32, #tpu.memory_space<hbm>>
      %dma_wait3A_83 = arith.constant 0 : i32
      %dma_wait3A_84 = arith.constant 0 : i32
      %dma_wait3A_85 = tpu.memref_slice %arg6[%dma_wait3A_83, %dma_wait3A_84] : memref<200x64xf32, #tpu.memory_space<vmem>> -> memref<128x64xf32, #tpu.memory_space<vmem>>
      %dma_wait3A_86 = arith.constant 0 : i32
      %dma_wait3A_87 = arith.constant 0 : i32
      %dma_wait3A_88 = tpu.memref_slice %arg3[%dma_wait3A_86, %dma_wait3A_87] : memref<100000x64xf32, #tpu.memory_space<hbm>> -> memref<128x64xf32, #tpu.memory_space<hbm>>
      tpu.wait_dma2 semaphore(%arg10 : memref<!tpu.dma_semaphore, #tpu.memory_space<semaphore_mem>>) src(%dma_wait3A_88 : memref<128x64xf32, #tpu.memory_space<hbm>>) dst(%dma_wait3A_85 : memref<128x64xf32, #tpu.memory_space<vmem>>)
      %dma_wait3A_89 = arith.constant 128 : i32
      %dma_wait3A_90 = arith.constant 0 : i32
      %dma_wait3A_91 = tpu.memref_slice %arg6[%dma_wait3A_89, %dma_wait3A_90] : memref<200x64xf32, #tpu.memory_space<vmem>> -> memref<72x64xf32, #tpu.memory_space<vmem>>
      %dma_wait3A_92 = arith.constant 0 : i32
      %dma_wait3A_93 = arith.constant 0 : i32
      %dma_wait3A_94 = tpu.memref_slice %arg3[%dma_wait3A_92, %dma_wait3A_93] : memref<100000x64xf32, #tpu.memory_space<hbm>> -> memref<72x64xf32, #tpu.memory_space<hbm>>
      %dma_wait3A_95 = arith.constant 128 : i32
      %dma_wait3A_96 = arith.constant 0 : i32
      %dma_wait3A_97 = tpu.memref_slice %arg6[%dma_wait3A_95, %dma_wait3A_96] : memref<200x64xf32, #tpu.memory_space<vmem>> -> memref<72x64xf32, #tpu.memory_space<vmem>>
      %dma_wait3A_98 = arith.constant 0 : i32
      %dma_wait3A_99 = arith.constant 0 : i32
      %dma_wait3A_100 = tpu.memref_slice %arg3[%dma_wait3A_98, %dma_wait3A_99] : memref<100000x64xf32, #tpu.memory_space<hbm>> -> memref<72x64xf32, #tpu.memory_space<hbm>>
      tpu.wait_dma2 semaphore(%arg10 : memref<!tpu.dma_semaphore, #tpu.memory_space<semaphore_mem>>) src(%dma_wait3A_100 : memref<72x64xf32, #tpu.memory_space<hbm>>) dst(%dma_wait3A_97 : memref<72x64xf32, #tpu.memory_space<vmem>>)
      %ge3A = arith.constant 1 : i32
      "tpu.trace_stop"() : () -> ()
      "tpu.trace_start"() <{level = 10 : i32, message = "wait_write"}> : () -> ()
      %ge3A_101 = arith.cmpi sge, %scan3A_70, %ge3A : i32
      %convert_element_type3A_102 = arith.extui %ge3A_101 : i1 to i32
      %cond3A_103 = arith.constant 0 : i32
      %cond3A_104 = arith.cmpi ne, %convert_element_type3A_102, %cond3A_103 : i32
      scf.if %cond3A_104 {
        %dma_wait3A_185 = arith.constant 0 : i32
        %dma_wait3A_186 = arith.constant 0 : i32
        %dma_wait3A_187 = arith.constant 0 : i32
        %dma_wait3A_188 = tpu.memref_slice %arg8[%dma_wait3A_186, %dma_wait3A_187] : memref<64x201xf32, #tpu.memory_space<vmem>> -> memref<64x200xf32, #tpu.memory_space<vmem>>
        %dma_wait3A_189 = arith.constant 0 : i32
        %dma_wait3A_190 = arith.constant 0 : i32
        %dma_wait3A_191 = tpu.memref_slice %arg4[%dma_wait3A_185, %dma_wait3A_189, %dma_wait3A_190] : memref<4096x64x200xf32, #tpu.memory_space<hbm>> -> memref<1x64x200xf32, #tpu.memory_space<hbm>>
        %dma_wait3A_192 = tpu.memref_squeeze %dma_wait3A_191 : memref<1x64x200xf32, #tpu.memory_space<hbm>> -> memref<64x200xf32, #tpu.memory_space<hbm>>
        %dma_wait3A_193 = arith.constant 0 : i32
        %dma_wait3A_194 = arith.constant 0 : i32
        %dma_wait3A_195 = tpu.memref_slice %arg8[%dma_wait3A_193, %dma_wait3A_194] : memref<64x201xf32, #tpu.memory_space<vmem>> -> memref<64x200xf32, #tpu.memory_space<vmem>>
        %dma_wait3A_196 = arith.constant 0 : i32
        %dma_wait3A_197 = arith.constant 0 : i32
        %dma_wait3A_198 = tpu.memref_slice %arg4[%dma_wait3A_185, %dma_wait3A_196, %dma_wait3A_197] : memref<4096x64x200xf32, #tpu.memory_space<hbm>> -> memref<1x64x200xf32, #tpu.memory_space<hbm>>
        %dma_wait3A_199 = tpu.memref_squeeze %dma_wait3A_198 : memref<1x64x200xf32, #tpu.memory_space<hbm>> -> memref<64x200xf32, #tpu.memory_space<hbm>>
        tpu.wait_dma2 semaphore(%arg12 : memref<!tpu.dma_semaphore, #tpu.memory_space<semaphore_mem>>) src(%dma_wait3A_199 : memref<64x200xf32, #tpu.memory_space<hbm>>) dst(%dma_wait3A_195 : memref<64x200xf32, #tpu.memory_space<vmem>>)
      } else {
      }
      "tpu.trace_stop"() : () -> ()
      "tpu.trace_start"() <{level = 10 : i32, message = "transpose"}> : () -> ()
      %scan3A_105 = arith.constant 0 : i32
      %scan3A_106 = arith.constant 50 : i32
      %scan3A_107 = arith.addi %scan3A_105, %scan3A_106 : i32
      %scan3A_108 = arith.constant 1 : i32
      scf.for %scan3A_185 = %scan3A_105 to %scan3A_107 step %scan3A_108  : i32 {
        %mul3A_186 = arith.constant 4 : i32
        %mul3A_187 = arith.muli %scan3A_185, %mul3A_186 : i32
        %add3A_188 = arith.constant 0 : i32
        %add3A_189 = arith.addi %mul3A_187, %add3A_188 : i32
        %broadcast_in_dim3A = vector.broadcast %add3A_189 : i32 to vector<16xi32>
        %get3A = arith.index_cast %add3A_189 : i32 to index
        %get3A_190 = arith.constant 0 : index
        %get3A_191 = tpu.vector_load %arg6[%get3A, %get3A_190] {strides = array<i32>} : memref<200x64xf32, #tpu.memory_space<vmem>>, vector<16xf32>,
        tpu.vector_store_idx %arg8[%add3A_5, %broadcast_in_dim3A], %get3A_191 : memref<64x201xf32, #tpu.memory_space<vmem>>[vector<16xi32>, vector<16xi32>], vector<16xf32>,
        %get3A_192 = arith.index_cast %add3A_189 : i32 to index
        %get3A_193 = arith.constant 16 : index
        %get3A_194 = tpu.vector_load %arg6[%get3A_192, %get3A_193] {strides = array<i32>} : memref<200x64xf32, #tpu.memory_space<vmem>>, vector<16xf32>,
        tpu.vector_store_idx %arg8[%add3A_9, %broadcast_in_dim3A], %get3A_194 : memref<64x201xf32, #tpu.memory_space<vmem>>[vector<16xi32>, vector<16xi32>], vector<16xf32>,
        %get3A_195 = arith.index_cast %add3A_189 : i32 to index
        %get3A_196 = arith.constant 32 : index
        %get3A_197 = tpu.vector_load %arg6[%get3A_195, %get3A_196] {strides = array<i32>} : memref<200x64xf32, #tpu.memory_space<vmem>>, vector<16xf32>,
        tpu.vector_store_idx %arg8[%add3A_13, %broadcast_in_dim3A], %get3A_197 : memref<64x201xf32, #tpu.memory_space<vmem>>[vector<16xi32>, vector<16xi32>], vector<16xf32>,
        %get3A_198 = arith.index_cast %add3A_189 : i32 to index
        %get3A_199 = arith.constant 48 : index
        %get3A_200 = tpu.vector_load %arg6[%get3A_198, %get3A_199] {strides = array<i32>} : memref<200x64xf32, #tpu.memory_space<vmem>>, vector<16xf32>,
        tpu.vector_store_idx %arg8[%add3A_17, %broadcast_in_dim3A], %get3A_200 : memref<64x201xf32, #tpu.memory_space<vmem>>[vector<16xi32>, vector<16xi32>], vector<16xf32>,
        %add3A_201 = arith.constant 1 : i32
        %add3A_202 = arith.addi %mul3A_187, %add3A_201 : i32
        %broadcast_in_dim3A_203 = vector.broadcast %add3A_202 : i32 to vector<16xi32>
        %get3A_204 = arith.index_cast %add3A_202 : i32 to index
        %get3A_205 = arith.constant 0 : index
        %get3A_206 = tpu.vector_load %arg6[%get3A_204, %get3A_205] {strides = array<i32>} : memref<200x64xf32, #tpu.memory_space<vmem>>, vector<16xf32>,
        tpu.vector_store_idx %arg8[%add3A_5, %broadcast_in_dim3A_203], %get3A_206 : memref<64x201xf32, #tpu.memory_space<vmem>>[vector<16xi32>, vector<16xi32>], vector<16xf32>,
        %get3A_207 = arith.index_cast %add3A_202 : i32 to index
        %get3A_208 = arith.constant 16 : index
        %get3A_209 = tpu.vector_load %arg6[%get3A_207, %get3A_208] {strides = array<i32>} : memref<200x64xf32, #tpu.memory_space<vmem>>, vector<16xf32>,
        tpu.vector_store_idx %arg8[%add3A_9, %broadcast_in_dim3A_203], %get3A_209 : memref<64x201xf32, #tpu.memory_space<vmem>>[vector<16xi32>, vector<16xi32>], vector<16xf32>,
        %get3A_210 = arith.index_cast %add3A_202 : i32 to index
        %get3A_211 = arith.constant 32 : index
        %get3A_212 = tpu.vector_load %arg6[%get3A_210, %get3A_211] {strides = array<i32>} : memref<200x64xf32, #tpu.memory_space<vmem>>, vector<16xf32>,
        tpu.vector_store_idx %arg8[%add3A_13, %broadcast_in_dim3A_203], %get3A_212 : memref<64x201xf32, #tpu.memory_space<vmem>>[vector<16xi32>, vector<16xi32>], vector<16xf32>,
        %get3A_213 = arith.index_cast %add3A_202 : i32 to index
        %get3A_214 = arith.constant 48 : index
        %get3A_215 = tpu.vector_load %arg6[%get3A_213, %get3A_214] {strides = array<i32>} : memref<200x64xf32, #tpu.memory_space<vmem>>, vector<16xf32>,
        tpu.vector_store_idx %arg8[%add3A_17, %broadcast_in_dim3A_203], %get3A_215 : memref<64x201xf32, #tpu.memory_space<vmem>>[vector<16xi32>, vector<16xi32>], vector<16xf32>,
        %add3A_216 = arith.constant 2 : i32
        %add3A_217 = arith.addi %mul3A_187, %add3A_216 : i32
        %broadcast_in_dim3A_218 = vector.broadcast %add3A_217 : i32 to vector<16xi32>
        %get3A_219 = arith.index_cast %add3A_217 : i32 to index
        %get3A_220 = arith.constant 0 : index
        %get3A_221 = tpu.vector_load %arg6[%get3A_219, %get3A_220] {strides = array<i32>} : memref<200x64xf32, #tpu.memory_space<vmem>>, vector<16xf32>,
        tpu.vector_store_idx %arg8[%add3A_5, %broadcast_in_dim3A_218], %get3A_221 : memref<64x201xf32, #tpu.memory_space<vmem>>[vector<16xi32>, vector<16xi32>], vector<16xf32>,
        %get3A_222 = arith.index_cast %add3A_217 : i32 to index
        %get3A_223 = arith.constant 16 : index
        %get3A_224 = tpu.vector_load %arg6[%get3A_222, %get3A_223] {strides = array<i32>} : memref<200x64xf32, #tpu.memory_space<vmem>>, vector<16xf32>,
        tpu.vector_store_idx %arg8[%add3A_9, %broadcast_in_dim3A_218], %get3A_224 : memref<64x201xf32, #tpu.memory_space<vmem>>[vector<16xi32>, vector<16xi32>], vector<16xf32>,
        %get3A_225 = arith.index_cast %add3A_217 : i32 to index
        %get3A_226 = arith.constant 32 : index
        %get3A_227 = tpu.vector_load %arg6[%get3A_225, %get3A_226] {strides = array<i32>} : memref<200x64xf32, #tpu.memory_space<vmem>>, vector<16xf32>,
        tpu.vector_store_idx %arg8[%add3A_13, %broadcast_in_dim3A_218], %get3A_227 : memref<64x201xf32, #tpu.memory_space<vmem>>[vector<16xi32>, vector<16xi32>], vector<16xf32>,
        %get3A_228 = arith.index_cast %add3A_217 : i32 to index
        %get3A_229 = arith.constant 48 : index
        %get3A_230 = tpu.vector_load %arg6[%get3A_228, %get3A_229] {strides = array<i32>} : memref<200x64xf32, #tpu.memory_space<vmem>>, vector<16xf32>,
        tpu.vector_store_idx %arg8[%add3A_17, %broadcast_in_dim3A_218], %get3A_230 : memref<64x201xf32, #tpu.memory_space<vmem>>[vector<16xi32>, vector<16xi32>], vector<16xf32>,
        %add3A_231 = arith.constant 3 : i32
        %add3A_232 = arith.addi %mul3A_187, %add3A_231 : i32
        %broadcast_in_dim3A_233 = vector.broadcast %add3A_232 : i32 to vector<16xi32>
        %get3A_234 = arith.index_cast %add3A_232 : i32 to index
        %get3A_235 = arith.constant 0 : index
        %get3A_236 = tpu.vector_load %arg6[%get3A_234, %get3A_235] {strides = array<i32>} : memref<200x64xf32, #tpu.memory_space<vmem>>, vector<16xf32>,
        tpu.vector_store_idx %arg8[%add3A_5, %broadcast_in_dim3A_233], %get3A_236 : memref<64x201xf32, #tpu.memory_space<vmem>>[vector<16xi32>, vector<16xi32>], vector<16xf32>,
        %get3A_237 = arith.index_cast %add3A_232 : i32 to index
        %get3A_238 = arith.constant 16 : index
        %get3A_239 = tpu.vector_load %arg6[%get3A_237, %get3A_238] {strides = array<i32>} : memref<200x64xf32, #tpu.memory_space<vmem>>, vector<16xf32>,
        tpu.vector_store_idx %arg8[%add3A_9, %broadcast_in_dim3A_233], %get3A_239 : memref<64x201xf32, #tpu.memory_space<vmem>>[vector<16xi32>, vector<16xi32>], vector<16xf32>,
        %get3A_240 = arith.index_cast %add3A_232 : i32 to index
        %get3A_241 = arith.constant 32 : index
        %get3A_242 = tpu.vector_load %arg6[%get3A_240, %get3A_241] {strides = array<i32>} : memref<200x64xf32, #tpu.memory_space<vmem>>, vector<16xf32>,
        tpu.vector_store_idx %arg8[%add3A_13, %broadcast_in_dim3A_233], %get3A_242 : memref<64x201xf32, #tpu.memory_space<vmem>>[vector<16xi32>, vector<16xi32>], vector<16xf32>,
        %get3A_243 = arith.index_cast %add3A_232 : i32 to index
        %get3A_244 = arith.constant 48 : index
        %get3A_245 = tpu.vector_load %arg6[%get3A_243, %get3A_244] {strides = array<i32>} : memref<200x64xf32, #tpu.memory_space<vmem>>, vector<16xf32>,
        tpu.vector_store_idx %arg8[%add3A_17, %broadcast_in_dim3A_233], %get3A_245 : memref<64x201xf32, #tpu.memory_space<vmem>>[vector<16xi32>, vector<16xi32>], vector<16xf32>,
      }
      %scan3A_109 = arith.constant 50 : i32
      "tpu.trace_stop"() : () -> ()
      %add3A_110 = arith.addi %mul3A_2, %mul3A_72 : i32
      %dma_start3A_111 = arith.constant 0 : i32
      %dma_start3A_112 = arith.constant 0 : i32
      %dma_start3A_113 = tpu.memref_slice %arg8[%dma_start3A_111, %dma_start3A_112] : memref<64x201xf32, #tpu.memory_space<vmem>> -> memref<64x200xf32, #tpu.memory_space<vmem>>
      %dma_start3A_114 = arith.constant 0 : i32
      %dma_start3A_115 = arith.constant 0 : i32
      %dma_start3A_116 = tpu.memref_slice %arg4[%add3A_110, %dma_start3A_114, %dma_start3A_115] : memref<4096x64x200xf32, #tpu.memory_space<hbm>> -> memref<1x64x200xf32, #tpu.memory_space<hbm>>
      %dma_start3A_117 = tpu.memref_squeeze %dma_start3A_116 : memref<1x64x200xf32, #tpu.memory_space<hbm>> -> memref<64x200xf32, #tpu.memory_space<hbm>>
      %dma_start3A_118 = arith.constant 0 : i32
      %dma_start3A_119 = arith.constant 0 : i32
      %dma_start3A_120 = tpu.memref_slice %arg4[%add3A_110, %dma_start3A_118, %dma_start3A_119] : memref<4096x64x200xf32, #tpu.memory_space<hbm>> -> memref<1x64x200xf32, #tpu.memory_space<hbm>>
      %dma_start3A_121 = tpu.memref_squeeze %dma_start3A_120 : memref<1x64x200xf32, #tpu.memory_space<hbm>> -> memref<64x200xf32, #tpu.memory_space<hbm>>
      %dma_start3A_122 = arith.constant 0 : i32
      %dma_start3A_123 = arith.constant 0 : i32
      %dma_start3A_124 = tpu.memref_slice %arg8[%dma_start3A_122, %dma_start3A_123] : memref<64x201xf32, #tpu.memory_space<vmem>> -> memref<64x200xf32, #tpu.memory_space<vmem>>
      tpu.enqueue_dma source(%dma_start3A_124 : memref<64x200xf32, #tpu.memory_space<vmem>>) target(%dma_start3A_121 : memref<64x200xf32, #tpu.memory_space<hbm>>) target_semaphore(%arg12 : memref<!tpu.dma_semaphore, #tpu.memory_space<semaphore_mem>>)
      %mul3A_125 = arith.constant 2 : i32
      %mul3A_126 = arith.muli %mul3A_125, %scan3A_70 : i32
      %add3A_127 = arith.constant 1 : i32
      %add3A_128 = arith.addi %mul3A_126, %add3A_127 : i32
      %add3A_129 = arith.constant 1 : i32
      %add3A_130 = arith.addi %add3A_128, %add3A_129 : i32
      %lt3A_131 = arith.constant 128 : i32
      %lt3A_132 = arith.cmpi slt, %add3A_130, %lt3A_131 : i32
      %convert_element_type3A_133 = arith.extui %lt3A_132 : i1 to i32
      %cond3A_134 = arith.constant 0 : i32
      %cond3A_135 = arith.cmpi ne, %convert_element_type3A_133, %cond3A_134 : i32
      scf.if %cond3A_135 {
        %add3A_185 = arith.constant 1 : i32
        %add3A_186 = arith.addi %add3A_128, %add3A_185 : i32
        %dma_start3A_187 = arith.constant 0 : i32
        %dma_start3A_188 = arith.constant 0 : i32
        %dma_start3A_189 = tpu.memref_slice %arg6[%dma_start3A_187, %dma_start3A_188] : memref<200x64xf32, #tpu.memory_space<vmem>> -> memref<128x64xf32, #tpu.memory_space<vmem>>
        %dma_start3A_190 = arith.constant 0 : i32
        %dma_start3A_191 = tpu.memref_slice %arg5[%add3A_186, %dma_start3A_190] : memref<128x200xi32, #tpu.memory_space<vmem>> -> memref<1x128xi32, #tpu.memory_space<vmem>>
        %dma_start3A_192 = tpu.memref_squeeze %dma_start3A_191 : memref<1x128xi32, #tpu.memory_space<vmem>> -> memref<128xi32, #tpu.memory_space<vmem>>
        %dma_start3A_193 = arith.constant 0 : i32
        %dma_start3A_194 = arith.constant 0 : i32
        %dma_start3A_195 = tpu.memref_slice %arg3[%dma_start3A_193, %dma_start3A_194] : memref<100000x64xf32, #tpu.memory_space<hbm>> -> memref<100000x64xf32, #tpu.memory_space<hbm>>
        tpu.enqueue_indirect_dma source(%dma_start3A_195 : memref<100000x64xf32, #tpu.memory_space<hbm>>) target(%dma_start3A_189 : memref<128x64xf32, #tpu.memory_space<vmem>>) offsets(%dma_start3A_192 : memref<128xi32, #tpu.memory_space<vmem>>) semaphore(%arg10 : memref<!tpu.dma_semaphore, #tpu.memory_space<semaphore_mem>>)
        %dma_start3A_196 = arith.constant 128 : i32
        %dma_start3A_197 = arith.constant 0 : i32
        %dma_start3A_198 = tpu.memref_slice %arg6[%dma_start3A_196, %dma_start3A_197] : memref<200x64xf32, #tpu.memory_space<vmem>> -> memref<72x64xf32, #tpu.memory_space<vmem>>
        %dma_start3A_199 = arith.constant 128 : i32
        %dma_start3A_200 = tpu.memref_slice %arg5[%add3A_186, %dma_start3A_199] : memref<128x200xi32, #tpu.memory_space<vmem>> -> memref<1x72xi32, #tpu.memory_space<vmem>>
        %dma_start3A_201 = tpu.memref_squeeze %dma_start3A_200 : memref<1x72xi32, #tpu.memory_space<vmem>> -> memref<72xi32, #tpu.memory_space<vmem>>
        %dma_start3A_202 = arith.constant 0 : i32
        %dma_start3A_203 = arith.constant 0 : i32
        %dma_start3A_204 = tpu.memref_slice %arg3[%dma_start3A_202, %dma_start3A_203] : memref<100000x64xf32, #tpu.memory_space<hbm>> -> memref<100000x64xf32, #tpu.memory_space<hbm>>
        tpu.enqueue_indirect_dma source(%dma_start3A_204 : memref<100000x64xf32, #tpu.memory_space<hbm>>) target(%dma_start3A_198 : memref<72x64xf32, #tpu.memory_space<vmem>>) offsets(%dma_start3A_201 : memref<72xi32, #tpu.memory_space<vmem>>) semaphore(%arg10 : memref<!tpu.dma_semaphore, #tpu.memory_space<semaphore_mem>>)
      } else {
      }
      "tpu.trace_start"() <{level = 10 : i32, message = "wait_gather"}> : () -> ()
      %dma_wait3A_136 = arith.constant 0 : i32
      %dma_wait3A_137 = arith.constant 0 : i32
      %dma_wait3A_138 = tpu.memref_slice %arg7[%dma_wait3A_136, %dma_wait3A_137] : memref<200x64xf32, #tpu.memory_space<vmem>> -> memref<128x64xf32, #tpu.memory_space<vmem>>
      %dma_wait3A_139 = arith.constant 0 : i32
      %dma_wait3A_140 = arith.constant 0 : i32
      %dma_wait3A_141 = tpu.memref_slice %arg3[%dma_wait3A_139, %dma_wait3A_140] : memref<100000x64xf32, #tpu.memory_space<hbm>> -> memref<128x64xf32, #tpu.memory_space<hbm>>
      %dma_wait3A_142 = arith.constant 0 : i32
      %dma_wait3A_143 = arith.constant 0 : i32
      %dma_wait3A_144 = tpu.memref_slice %arg7[%dma_wait3A_142, %dma_wait3A_143] : memref<200x64xf32, #tpu.memory_space<vmem>> -> memref<128x64xf32, #tpu.memory_space<vmem>>
      %dma_wait3A_145 = arith.constant 0 : i32
      %dma_wait3A_146 = arith.constant 0 : i32
      %dma_wait3A_147 = tpu.memref_slice %arg3[%dma_wait3A_145, %dma_wait3A_146] : memref<100000x64xf32, #tpu.memory_space<hbm>> -> memref<128x64xf32, #tpu.memory_space<hbm>>
      tpu.wait_dma2 semaphore(%arg11 : memref<!tpu.dma_semaphore, #tpu.memory_space<semaphore_mem>>) src(%dma_wait3A_147 : memref<128x64xf32, #tpu.memory_space<hbm>>) dst(%dma_wait3A_144 : memref<128x64xf32, #tpu.memory_space<vmem>>)
      %dma_wait3A_148 = arith.constant 128 : i32
      %dma_wait3A_149 = arith.constant 0 : i32
      %dma_wait3A_150 = tpu.memref_slice %arg7[%dma_wait3A_148, %dma_wait3A_149] : memref<200x64xf32, #tpu.memory_space<vmem>> -> memref<72x64xf32, #tpu.memory_space<vmem>>
      %dma_wait3A_151 = arith.constant 0 : i32
      %dma_wait3A_152 = arith.constant 0 : i32
      %dma_wait3A_153 = tpu.memref_slice %arg3[%dma_wait3A_151, %dma_wait3A_152] : memref<100000x64xf32, #tpu.memory_space<hbm>> -> memref<72x64xf32, #tpu.memory_space<hbm>>
      %dma_wait3A_154 = arith.constant 128 : i32
      %dma_wait3A_155 = arith.constant 0 : i32
      %dma_wait3A_156 = tpu.memref_slice %arg7[%dma_wait3A_154, %dma_wait3A_155] : memref<200x64xf32, #tpu.memory_space<vmem>> -> memref<72x64xf32, #tpu.memory_space<vmem>>
      %dma_wait3A_157 = arith.constant 0 : i32
      %dma_wait3A_158 = arith.constant 0 : i32
      %dma_wait3A_159 = tpu.memref_slice %arg3[%dma_wait3A_157, %dma_wait3A_158] : memref<100000x64xf32, #tpu.memory_space<hbm>> -> memref<72x64xf32, #tpu.memory_space<hbm>>
      tpu.wait_dma2 semaphore(%arg11 : memref<!tpu.dma_semaphore, #tpu.memory_space<semaphore_mem>>) src(%dma_wait3A_159 : memref<72x64xf32, #tpu.memory_space<hbm>>) dst(%dma_wait3A_156 : memref<72x64xf32, #tpu.memory_space<vmem>>)
      %ge3A_160 = arith.constant 1 : i32
      "tpu.trace_stop"() : () -> ()
      "tpu.trace_start"() <{level = 10 : i32, message = "wait_write"}> : () -> ()
      %ge3A_161 = arith.cmpi sge, %scan3A_70, %ge3A_160 : i32
      %convert_element_type3A_162 = arith.extui %ge3A_161 : i1 to i32
      %cond3A_163 = arith.constant 0 : i32
      %cond3A_164 = arith.cmpi ne, %convert_element_type3A_162, %cond3A_163 : i32
      scf.if %cond3A_164 {
        %dma_wait3A_185 = arith.constant 0 : i32
        %dma_wait3A_186 = arith.constant 0 : i32
        %dma_wait3A_187 = arith.constant 0 : i32
        %dma_wait3A_188 = tpu.memref_slice %arg9[%dma_wait3A_186, %dma_wait3A_187] : memref<64x201xf32, #tpu.memory_space<vmem>> -> memref<64x200xf32, #tpu.memory_space<vmem>>
        %dma_wait3A_189 = arith.constant 0 : i32
        %dma_wait3A_190 = arith.constant 0 : i32
        %dma_wait3A_191 = tpu.memref_slice %arg4[%dma_wait3A_185, %dma_wait3A_189, %dma_wait3A_190] : memref<4096x64x200xf32, #tpu.memory_space<hbm>> -> memref<1x64x200xf32, #tpu.memory_space<hbm>>
        %dma_wait3A_192 = tpu.memref_squeeze %dma_wait3A_191 : memref<1x64x200xf32, #tpu.memory_space<hbm>> -> memref<64x200xf32, #tpu.memory_space<hbm>>
        %dma_wait3A_193 = arith.constant 0 : i32
        %dma_wait3A_194 = arith.constant 0 : i32
        %dma_wait3A_195 = tpu.memref_slice %arg9[%dma_wait3A_193, %dma_wait3A_194] : memref<64x201xf32, #tpu.memory_space<vmem>> -> memref<64x200xf32, #tpu.memory_space<vmem>>
        %dma_wait3A_196 = arith.constant 0 : i32
        %dma_wait3A_197 = arith.constant 0 : i32
        %dma_wait3A_198 = tpu.memref_slice %arg4[%dma_wait3A_185, %dma_wait3A_196, %dma_wait3A_197] : memref<4096x64x200xf32, #tpu.memory_space<hbm>> -> memref<1x64x200xf32, #tpu.memory_space<hbm>>
        %dma_wait3A_199 = tpu.memref_squeeze %dma_wait3A_198 : memref<1x64x200xf32, #tpu.memory_space<hbm>> -> memref<64x200xf32, #tpu.memory_space<hbm>>
        tpu.wait_dma2 semaphore(%arg13 : memref<!tpu.dma_semaphore, #tpu.memory_space<semaphore_mem>>) src(%dma_wait3A_199 : memref<64x200xf32, #tpu.memory_space<hbm>>) dst(%dma_wait3A_195 : memref<64x200xf32, #tpu.memory_space<vmem>>)
      } else {
      }
      "tpu.trace_stop"() : () -> ()
      "tpu.trace_start"() <{level = 10 : i32, message = "transpose"}> : () -> ()
      %scan3A_165 = arith.constant 0 : i32
      %scan3A_166 = arith.constant 50 : i32
      %scan3A_167 = arith.addi %scan3A_165, %scan3A_166 : i32
      %scan3A_168 = arith.constant 1 : i32
      scf.for %scan3A_185 = %scan3A_165 to %scan3A_167 step %scan3A_168  : i32 {
        %mul3A_186 = arith.constant 4 : i32
        %mul3A_187 = arith.muli %scan3A_185, %mul3A_186 : i32
        %add3A_188 = arith.constant 0 : i32
        %add3A_189 = arith.addi %mul3A_187, %add3A_188 : i32
        %broadcast_in_dim3A = vector.broadcast %add3A_189 : i32 to vector<16xi32>
        %get3A = arith.index_cast %add3A_189 : i32 to index
        %get3A_190 = arith.constant 0 : index
        %get3A_191 = tpu.vector_load %arg7[%get3A, %get3A_190] {strides = array<i32>} : memref<200x64xf32, #tpu.memory_space<vmem>>, vector<16xf32>,
        tpu.vector_store_idx %arg9[%add3A_5, %broadcast_in_dim3A], %get3A_191 : memref<64x201xf32, #tpu.memory_space<vmem>>[vector<16xi32>, vector<16xi32>], vector<16xf32>,
        %get3A_192 = arith.index_cast %add3A_189 : i32 to index
        %get3A_193 = arith.constant 16 : index
        %get3A_194 = tpu.vector_load %arg7[%get3A_192, %get3A_193] {strides = array<i32>} : memref<200x64xf32, #tpu.memory_space<vmem>>, vector<16xf32>,
        tpu.vector_store_idx %arg9[%add3A_9, %broadcast_in_dim3A], %get3A_194 : memref<64x201xf32, #tpu.memory_space<vmem>>[vector<16xi32>, vector<16xi32>], vector<16xf32>,
        %get3A_195 = arith.index_cast %add3A_189 : i32 to index
        %get3A_196 = arith.constant 32 : index
        %get3A_197 = tpu.vector_load %arg7[%get3A_195, %get3A_196] {strides = array<i32>} : memref<200x64xf32, #tpu.memory_space<vmem>>, vector<16xf32>,
        tpu.vector_store_idx %arg9[%add3A_13, %broadcast_in_dim3A], %get3A_197 : memref<64x201xf32, #tpu.memory_space<vmem>>[vector<16xi32>, vector<16xi32>], vector<16xf32>,
        %get3A_198 = arith.index_cast %add3A_189 : i32 to index
        %get3A_199 = arith.constant 48 : index
        %get3A_200 = tpu.vector_load %arg7[%get3A_198, %get3A_199] {strides = array<i32>} : memref<200x64xf32, #tpu.memory_space<vmem>>, vector<16xf32>,
        tpu.vector_store_idx %arg9[%add3A_17, %broadcast_in_dim3A], %get3A_200 : memref<64x201xf32, #tpu.memory_space<vmem>>[vector<16xi32>, vector<16xi32>], vector<16xf32>,
        %add3A_201 = arith.constant 1 : i32
        %add3A_202 = arith.addi %mul3A_187, %add3A_201 : i32
        %broadcast_in_dim3A_203 = vector.broadcast %add3A_202 : i32 to vector<16xi32>
        %get3A_204 = arith.index_cast %add3A_202 : i32 to index
        %get3A_205 = arith.constant 0 : index
        %get3A_206 = tpu.vector_load %arg7[%get3A_204, %get3A_205] {strides = array<i32>} : memref<200x64xf32, #tpu.memory_space<vmem>>, vector<16xf32>,
        tpu.vector_store_idx %arg9[%add3A_5, %broadcast_in_dim3A_203], %get3A_206 : memref<64x201xf32, #tpu.memory_space<vmem>>[vector<16xi32>, vector<16xi32>], vector<16xf32>,
        %get3A_207 = arith.index_cast %add3A_202 : i32 to index
        %get3A_208 = arith.constant 16 : index
        %get3A_209 = tpu.vector_load %arg7[%get3A_207, %get3A_208] {strides = array<i32>} : memref<200x64xf32, #tpu.memory_space<vmem>>, vector<16xf32>,
        tpu.vector_store_idx %arg9[%add3A_9, %broadcast_in_dim3A_203], %get3A_209 : memref<64x201xf32, #tpu.memory_space<vmem>>[vector<16xi32>, vector<16xi32>], vector<16xf32>,
        %get3A_210 = arith.index_cast %add3A_202 : i32 to index
        %get3A_211 = arith.constant 32 : index
        %get3A_212 = tpu.vector_load %arg7[%get3A_210, %get3A_211] {strides = array<i32>} : memref<200x64xf32, #tpu.memory_space<vmem>>, vector<16xf32>,
        tpu.vector_store_idx %arg9[%add3A_13, %broadcast_in_dim3A_203], %get3A_212 : memref<64x201xf32, #tpu.memory_space<vmem>>[vector<16xi32>, vector<16xi32>], vector<16xf32>,
        %get3A_213 = arith.index_cast %add3A_202 : i32 to index
        %get3A_214 = arith.constant 48 : index
        %get3A_215 = tpu.vector_load %arg7[%get3A_213, %get3A_214] {strides = array<i32>} : memref<200x64xf32, #tpu.memory_space<vmem>>, vector<16xf32>,
        tpu.vector_store_idx %arg9[%add3A_17, %broadcast_in_dim3A_203], %get3A_215 : memref<64x201xf32, #tpu.memory_space<vmem>>[vector<16xi32>, vector<16xi32>], vector<16xf32>,
        %add3A_216 = arith.constant 2 : i32
        %add3A_217 = arith.addi %mul3A_187, %add3A_216 : i32
        %broadcast_in_dim3A_218 = vector.broadcast %add3A_217 : i32 to vector<16xi32>
        %get3A_219 = arith.index_cast %add3A_217 : i32 to index
        %get3A_220 = arith.constant 0 : index
        %get3A_221 = tpu.vector_load %arg7[%get3A_219, %get3A_220] {strides = array<i32>} : memref<200x64xf32, #tpu.memory_space<vmem>>, vector<16xf32>,
        tpu.vector_store_idx %arg9[%add3A_5, %broadcast_in_dim3A_218], %get3A_221 : memref<64x201xf32, #tpu.memory_space<vmem>>[vector<16xi32>, vector<16xi32>], vector<16xf32>,
        %get3A_222 = arith.index_cast %add3A_217 : i32 to index
        %get3A_223 = arith.constant 16 : index
        %get3A_224 = tpu.vector_load %arg7[%get3A_222, %get3A_223] {strides = array<i32>} : memref<200x64xf32, #tpu.memory_space<vmem>>, vector<16xf32>,
        tpu.vector_store_idx %arg9[%add3A_9, %broadcast_in_dim3A_218], %get3A_224 : memref<64x201xf32, #tpu.memory_space<vmem>>[vector<16xi32>, vector<16xi32>], vector<16xf32>,
        %get3A_225 = arith.index_cast %add3A_217 : i32 to index
        %get3A_226 = arith.constant 32 : index
        %get3A_227 = tpu.vector_load %arg7[%get3A_225, %get3A_226] {strides = array<i32>} : memref<200x64xf32, #tpu.memory_space<vmem>>, vector<16xf32>,
        tpu.vector_store_idx %arg9[%add3A_13, %broadcast_in_dim3A_218], %get3A_227 : memref<64x201xf32, #tpu.memory_space<vmem>>[vector<16xi32>, vector<16xi32>], vector<16xf32>,
        %get3A_228 = arith.index_cast %add3A_217 : i32 to index
        %get3A_229 = arith.constant 48 : index
        %get3A_230 = tpu.vector_load %arg7[%get3A_228, %get3A_229] {strides = array<i32>} : memref<200x64xf32, #tpu.memory_space<vmem>>, vector<16xf32>,
        tpu.vector_store_idx %arg9[%add3A_17, %broadcast_in_dim3A_218], %get3A_230 : memref<64x201xf32, #tpu.memory_space<vmem>>[vector<16xi32>, vector<16xi32>], vector<16xf32>,
        %add3A_231 = arith.constant 3 : i32
        %add3A_232 = arith.addi %mul3A_187, %add3A_231 : i32
        %broadcast_in_dim3A_233 = vector.broadcast %add3A_232 : i32 to vector<16xi32>
        %get3A_234 = arith.index_cast %add3A_232 : i32 to index
        %get3A_235 = arith.constant 0 : index
        %get3A_236 = tpu.vector_load %arg7[%get3A_234, %get3A_235] {strides = array<i32>} : memref<200x64xf32, #tpu.memory_space<vmem>>, vector<16xf32>,
        tpu.vector_store_idx %arg9[%add3A_5, %broadcast_in_dim3A_233], %get3A_236 : memref<64x201xf32, #tpu.memory_space<vmem>>[vector<16xi32>, vector<16xi32>], vector<16xf32>,
        %get3A_237 = arith.index_cast %add3A_232 : i32 to index
        %get3A_238 = arith.constant 16 : index
        %get3A_239 = tpu.vector_load %arg7[%get3A_237, %get3A_238] {strides = array<i32>} : memref<200x64xf32, #tpu.memory_space<vmem>>, vector<16xf32>,
        tpu.vector_store_idx %arg9[%add3A_9, %broadcast_in_dim3A_233], %get3A_239 : memref<64x201xf32, #tpu.memory_space<vmem>>[vector<16xi32>, vector<16xi32>], vector<16xf32>,
        %get3A_240 = arith.index_cast %add3A_232 : i32 to index
        %get3A_241 = arith.constant 32 : index
        %get3A_242 = tpu.vector_load %arg7[%get3A_240, %get3A_241] {strides = array<i32>} : memref<200x64xf32, #tpu.memory_space<vmem>>, vector<16xf32>,
        tpu.vector_store_idx %arg9[%add3A_13, %broadcast_in_dim3A_233], %get3A_242 : memref<64x201xf32, #tpu.memory_space<vmem>>[vector<16xi32>, vector<16xi32>], vector<16xf32>,
        %get3A_243 = arith.index_cast %add3A_232 : i32 to index
        %get3A_244 = arith.constant 48 : index
        %get3A_245 = tpu.vector_load %arg7[%get3A_243, %get3A_244] {strides = array<i32>} : memref<200x64xf32, #tpu.memory_space<vmem>>, vector<16xf32>,
        tpu.vector_store_idx %arg9[%add3A_17, %broadcast_in_dim3A_233], %get3A_245 : memref<64x201xf32, #tpu.memory_space<vmem>>[vector<16xi32>, vector<16xi32>], vector<16xf32>,
      }
      %scan3A_169 = arith.constant 50 : i32
      "tpu.trace_stop"() : () -> ()
      %add3A_170 = arith.addi %mul3A_2, %add3A_128 : i32
      %dma_start3A_171 = arith.constant 0 : i32
      %dma_start3A_172 = arith.constant 0 : i32
      %dma_start3A_173 = tpu.memref_slice %arg9[%dma_start3A_171, %dma_start3A_172] : memref<64x201xf32, #tpu.memory_space<vmem>> -> memref<64x200xf32, #tpu.memory_space<vmem>>
      %dma_start3A_174 = arith.constant 0 : i32
      %dma_start3A_175 = arith.constant 0 : i32
      %dma_start3A_176 = tpu.memref_slice %arg4[%add3A_170, %dma_start3A_174, %dma_start3A_175] : memref<4096x64x200xf32, #tpu.memory_space<hbm>> -> memref<1x64x200xf32, #tpu.memory_space<hbm>>
      %dma_start3A_177 = tpu.memref_squeeze %dma_start3A_176 : memref<1x64x200xf32, #tpu.memory_space<hbm>> -> memref<64x200xf32, #tpu.memory_space<hbm>>
      %dma_start3A_178 = arith.constant 0 : i32
      %dma_start3A_179 = arith.constant 0 : i32
      %dma_start3A_180 = tpu.memref_slice %arg4[%add3A_170, %dma_start3A_178, %dma_start3A_179] : memref<4096x64x200xf32, #tpu.memory_space<hbm>> -> memref<1x64x200xf32, #tpu.memory_space<hbm>>
      %dma_start3A_181 = tpu.memref_squeeze %dma_start3A_180 : memref<1x64x200xf32, #tpu.memory_space<hbm>> -> memref<64x200xf32, #tpu.memory_space<hbm>>
      %dma_start3A_182 = arith.constant 0 : i32
      %dma_start3A_183 = arith.constant 0 : i32
      %dma_start3A_184 = tpu.memref_slice %arg9[%dma_start3A_182, %dma_start3A_183] : memref<64x201xf32, #tpu.memory_space<vmem>> -> memref<64x200xf32, #tpu.memory_space<vmem>>
      tpu.enqueue_dma source(%dma_start3A_184 : memref<64x200xf32, #tpu.memory_space<vmem>>) target(%dma_start3A_181 : memref<64x200xf32, #tpu.memory_space<hbm>>) target_semaphore(%arg13 : memref<!tpu.dma_semaphore, #tpu.memory_space<semaphore_mem>>)
    }
    %scan3A_40 = arith.constant 64 : i32
    %dma_wait3A = arith.constant 0 : i32
    %dma_wait3A_41 = arith.constant 0 : i32
    %dma_wait3A_42 = arith.constant 0 : i32
    %dma_wait3A_43 = tpu.memref_slice %arg8[%dma_wait3A_41, %dma_wait3A_42] : memref<64x201xf32, #tpu.memory_space<vmem>> -> memref<64x200xf32, #tpu.memory_space<vmem>>
    %dma_wait3A_44 = arith.constant 0 : i32
    %dma_wait3A_45 = arith.constant 0 : i32
    %dma_wait3A_46 = tpu.memref_slice %arg4[%dma_wait3A, %dma_wait3A_44, %dma_wait3A_45] : memref<4096x64x200xf32, #tpu.memory_space<hbm>> -> memref<1x64x200xf32, #tpu.memory_space<hbm>>
    %dma_wait3A_47 = tpu.memref_squeeze %dma_wait3A_46 : memref<1x64x200xf32, #tpu.memory_space<hbm>> -> memref<64x200xf32, #tpu.memory_space<hbm>>
    %dma_wait3A_48 = arith.constant 0 : i32
    %dma_wait3A_49 = arith.constant 0 : i32
    %dma_wait3A_50 = tpu.memref_slice %arg8[%dma_wait3A_48, %dma_wait3A_49] : memref<64x201xf32, #tpu.memory_space<vmem>> -> memref<64x200xf32, #tpu.memory_space<vmem>>
    %dma_wait3A_51 = arith.constant 0 : i32
    %dma_wait3A_52 = arith.constant 0 : i32
    %dma_wait3A_53 = tpu.memref_slice %arg4[%dma_wait3A, %dma_wait3A_51, %dma_wait3A_52] : memref<4096x64x200xf32, #tpu.memory_space<hbm>> -> memref<1x64x200xf32, #tpu.memory_space<hbm>>
    %dma_wait3A_54 = tpu.memref_squeeze %dma_wait3A_53 : memref<1x64x200xf32, #tpu.memory_space<hbm>> -> memref<64x200xf32, #tpu.memory_space<hbm>>
    tpu.wait_dma2 semaphore(%arg12 : memref<!tpu.dma_semaphore, #tpu.memory_space<semaphore_mem>>) src(%dma_wait3A_54 : memref<64x200xf32, #tpu.memory_space<hbm>>) dst(%dma_wait3A_50 : memref<64x200xf32, #tpu.memory_space<vmem>>)
    %dma_wait3A_55 = arith.constant 0 : i32
    %dma_wait3A_56 = arith.constant 0 : i32
    %dma_wait3A_57 = arith.constant 0 : i32
    %dma_wait3A_58 = tpu.memref_slice %arg9[%dma_wait3A_56, %dma_wait3A_57] : memref<64x201xf32, #tpu.memory_space<vmem>> -> memref<64x200xf32, #tpu.memory_space<vmem>>
    %dma_wait3A_59 = arith.constant 0 : i32
    %dma_wait3A_60 = arith.constant 0 : i32
    %dma_wait3A_61 = tpu.memref_slice %arg4[%dma_wait3A_55, %dma_wait3A_59, %dma_wait3A_60] : memref<4096x64x200xf32, #tpu.memory_space<hbm>> -> memref<1x64x200xf32, #tpu.memory_space<hbm>>
    %dma_wait3A_62 = tpu.memref_squeeze %dma_wait3A_61 : memref<1x64x200xf32, #tpu.memory_space<hbm>> -> memref<64x200xf32, #tpu.memory_space<hbm>>
    %dma_wait3A_63 = arith.constant 0 : i32
    %dma_wait3A_64 = arith.constant 0 : i32
    %dma_wait3A_65 = tpu.memref_slice %arg9[%dma_wait3A_63, %dma_wait3A_64] : memref<64x201xf32, #tpu.memory_space<vmem>> -> memref<64x200xf32, #tpu.memory_space<vmem>>
    %dma_wait3A_66 = arith.constant 0 : i32
    %dma_wait3A_67 = arith.constant 0 : i32
    %dma_wait3A_68 = tpu.memref_slice %arg4[%dma_wait3A_55, %dma_wait3A_66, %dma_wait3A_67] : memref<4096x64x200xf32, #tpu.memory_space<hbm>> -> memref<1x64x200xf32, #tpu.memory_space<hbm>>
    %dma_wait3A_69 = tpu.memref_squeeze %dma_wait3A_68 : memref<1x64x200xf32, #tpu.memory_space<hbm>> -> memref<64x200xf32, #tpu.memory_space<hbm>>
    tpu.wait_dma2 semaphore(%arg13 : memref<!tpu.dma_semaphore, #tpu.memory_space<semaphore_mem>>) src(%dma_wait3A_69 : memref<64x200xf32, #tpu.memory_space<hbm>>) dst(%dma_wait3A_65 : memref<64x200xf32, #tpu.memory_space<vmem>>)
    return
  }
}

</mosaic_0001>

<sc_bundles>
// kernel: kernel.3.cloned.1.call-start
scs
__scs_entry_jumppad:
0x0: {  	(pc) =	sbr.rel $0x88, $3  }
0x1: {  	(tag) =	ssettag $0x0;
	lr =	simm.s32 $0x1  }
0x2: {  	[smem:$0x3F9F] =	sst lr;
	_ =	strace $0xD0000000  }
0x3: {  	_ = 	snop  }
0x4: {  	_ = 	snop  }
0x5: {  	_ = 	snop  }
0x6: {  	_ = 	snop  }
0x7: {  	_ = 	snop  }
__scs_overlays_trampoline_lowered:
0x8: {  	[smem:$0x3FAE] =	sst s0  }
0x9: {  	[smem:$0x3FAF] =	sst s1  }
0xa: {  	[smem:$0x3FB0] =	sst s2  }
0xb: {  	[smem:$0x3FB1] =	sst s3  }
0xc: {  	[smem:$0x3FB2] =	sst s4  }
0xd: {  	[smem:$0x3FB3] =	sst s5  }
0xe: {  	[smem:$0x3FB4] =	sst s6  }
0xf: {  	[smem:$0x3FB5] =	sst s7  }
0x10: {  	[smem:$0x3FB6] =	sst s8  }
0x11: {  	[smem:$0x3FB7] =	sst s9;
	s0 =	simm.s32 @!p0 $0x0  }
0x12: {  	s1 =	sld [smem:$0x3F9D];
	s0 =	simm.s32 @p0 $0x1  }
0x13: {  	[smem:$0x3FB8] =	sst s0;
	s0 =	simm.s32 @!p1 $0x0  }
0x14: {  	s2 =	sld [smem:$0x3F9C];
	s0 =	simm.s32 @p1 $0x1  }
0x15: {  	[smem:$0x3FB9] =	sst s0;
	s0 =	simm.s32 @!p2 $0x0  }
0x16: {  	s3 =	sld [smem:$0x3FDB];
	s0 =	simm.s32 @p2 $0x1  }
0x17: {  	s4 =	simm.s32 $0x1BF5;
	[smem:$0x3FBB] =	sst s0  }
0x18: {  	s0 =	sld [smem:$0x3F9E];
	_ =	swait.ge [sflag:s4], $0x0  }
0x19: {  	s7 =	sld [smem:$0x3F9F]  }
0x1a: {  	s8 =	sadd.s32 $0xFFFFE003, lr  }
0x1b: {  	s9 =	sadd.s32 $0xFFFFFEF7, lr;
	s5 =	simm.s32 $0xFFFFFFFF;
	p2 =	slt.u32 s8, $0xFFFFF086  }
0x1c: {  	p1 =	slt.u32 s9, $0xF7A;
	s5 =	simm.s32 @!p2 $0x0  }
0x1d: {  	s5 =	simm.s32 @p1 $0x1;
	p0 =	seq.s32 s7, s2  }
0x1e: {  	s7 =	smul.u32 @!p0 $0xF7A, s2;
	p2 =	seq.s32 @!p0 s5, $0x0  }
0x1f: {  	s9 =	smul.u32 $0xF7A, s1;
	s8 =	simm.s32 @!p0 $0x1BF5;
	p2 =	por !p2, p0  }
0x20: {  	[sflag:s8] =	ssyncset.s32 @!p0 $0xFFFFF086;
	s6 =	sadd.s32 @!p0 s3, s7;
	s7 =	simm.s32 @!p0 $0x108  }
0x21: {  	s3 =	sadd.s32 s3, s9;
	s6 =	sadd.s32 @!p0 $0x88, s6;
	s7 =	simm.s32 @p2 $0x1082  }
0x22: {  	[simem:s7], [sflag:s8] =	dma.local @!p0 [hbm:s6], $0xF7A  }
0x23: {  	s9 =	sor.u32 $0xD0000000, s2;
	s6 =	simm.s32 $0x108;
	_ =	swait.ge @!p0 [sflag:s8], $0x0  }
0x24: {  	s3 =	sadd.s32 $0x88, s3;
	s6 =	simm.s32 @!p1 $0x1082;
	[sflag:s4] =	ssyncset.s32 $0xFFFFF086  }
0x25: {  	[simem:s6], [sflag:s4] =	dma.local [hbm:s3], $0xF7A  }
0x26: {  	[smem:$0x3F9F] =	sst s1;
	(tag) =	ssettag s2;
	_ =	strace s9  }
0x27: {  	s1 =	sld [smem:$0x3FAF]  }
0x28: {  	s2 =	sld [smem:$0x3FB0]  }
0x29: {  	s4 =	sld [smem:$0x3FB2]  }
0x2a: {  	p0 =	seq.s32 s5, $0x0;
	s5 =	sld [smem:$0x3FB3]  }
0x2b: {  	s6 =	sld [smem:$0x3FB4]  }
0x2c: {  	s7 =	sld [smem:$0x3FB5]  }
0x2d: {  	s3 =	simm.s32 $0x108;
	s8 =	sld [smem:$0x3FB6]  }
0x2e: {  	s3 =	simm.s32 @!p0 $0x1082;
	s9 =	sld [smem:$0x3FB7]  }
0x2f: {  	lr =	sadd.s32 s0, s3;
	s0 =	sld [smem:$0x3FAE]  }
0x30: {  	s3 =	sld [smem:$0x3FB1]  }
0x31: {  	[smem:$0x3FBA] =	sst s10  }
0x32: {  	s10 =	sld [smem:$0x3FB8];
	_ =	sdelay $0x3  }
0x33: {  	p0 =	seq.s32 s10, $0x1;
	s10 =	sld [smem:$0x3FBA];
	_ =	sdelay $0x3  }
0x34: {  	[smem:$0x3FBA] =	sst s10  }
0x35: {  	s10 =	sld [smem:$0x3FB9];
	_ =	sdelay $0x3  }
0x36: {  	p1 =	seq.s32 s10, $0x1;
	s10 =	sld [smem:$0x3FBA];
	_ =	sdelay $0x3  }
0x37: {  	[smem:$0x3FBA] =	sst s10  }
0x38: {  	s10 =	sld [smem:$0x3FBB]  }
0x39: {  	_ = 	snop;
	(pc) =	sbr.ind lr, $3  }
0x3a: {  	_ = 	snop  }
0x3b: {  	_ = 	snop  }
0x3c: {  	p2 =	seq.s32 s10, $0x1;
	s10 =	sld [smem:$0x3FBA]  }
0x3d: {  	_ =	shalt  }
0x3e: {  	_ =	shalt  }
0x3f: {  	_ =	shalt  }
0x40: {  	_ =	shalt  }
0x41: {  	_ =	shalt  }
0x42: {  	_ =	shalt  }
0x43: {  	_ =	shalt  }
0x44: {  	_ =	shalt  }
0x45: {  	_ =	shalt  }
0x46: {  	_ =	shalt  }
0x47: {  	_ =	shalt  }
0x48: {  	_ =	shalt  }
0x49: {  	_ =	shalt  }
0x4a: {  	_ =	shalt  }
0x4b: {  	_ =	shalt  }
0x4c: {  	_ =	shalt  }
0x4d: {  	_ =	shalt  }
0x4e: {  	_ =	shalt  }
0x4f: {  	_ =	shalt  }
0x50: {  	_ =	shalt  }
0x51: {  	_ =	shalt  }
0x52: {  	_ =	shalt  }
0x53: {  	_ =	shalt  }
0x54: {  	_ =	shalt  }
0x55: {  	_ =	shalt  }
0x56: {  	_ =	shalt  }
0x57: {  	_ =	shalt  }
0x58: {  	_ =	shalt  }
0x59: {  	_ =	shalt  }
0x5a: {  	_ =	shalt  }
0x5b: {  	_ =	shalt  }
0x5c: {  	_ =	shalt  }
0x5d: {  	_ =	shalt  }
0x5e: {  	_ =	shalt  }
0x5f: {  	_ =	shalt  }
0x60: {  	_ =	shalt  }
0x61: {  	_ =	shalt  }
0x62: {  	_ =	shalt  }
0x63: {  	_ =	shalt  }
0x64: {  	_ =	shalt  }
0x65: {  	_ =	shalt  }
0x66: {  	_ =	shalt  }
0x67: {  	_ =	shalt  }
0x68: {  	_ =	shalt  }
0x69: {  	_ =	shalt  }
0x6a: {  	_ =	shalt  }
0x6b: {  	_ =	shalt  }
0x6c: {  	_ =	shalt  }
0x6d: {  	_ =	shalt  }
0x6e: {  	_ =	shalt  }
0x6f: {  	_ =	shalt  }
0x70: {  	_ =	shalt  }
0x71: {  	_ =	shalt  }
0x72: {  	_ =	shalt  }
0x73: {  	_ =	shalt  }
0x74: {  	_ =	shalt  }
0x75: {  	_ =	shalt  }
0x76: {  	_ =	shalt  }
0x77: {  	_ =	shalt  }
0x78: {  	_ =	shalt  }
0x79: {  	_ =	shalt  }
0x7a: {  	_ =	shalt  }
0x7b: {  	_ =	shalt  }
0x7c: {  	_ =	shalt  }
0x7d: {  	_ =	shalt  }
0x7e: {  	_ =	shalt  }
0x7f: {  	_ =	shalt  }
0x80: {  	_ =	shalt  }
0x81: {  	_ =	shalt  }
0x82: {  	_ =	shalt  }
0x83: {  	_ =	shalt  }
0x84: {  	_ =	shalt  }
0x85: {  	_ =	shalt  }
0x86: {  	_ =	shalt  }
0x87: {  	_ =	shalt  }
.Lfunc_end0:
.L_simem_size_0:
called_computation.1_lowered:
.L_overlay_start_0:
0x88: {  	s2 =	sld [smem:$0x3FD9]  }
0x89: {  	s3 =	sld [smem:$0x3FFE];
	_ =	sdelay $0x1  }
0x8a: {  	s1 =	srdreg.scid  }
0x8b: {  	s0 =	sand.u32 $0x1, s1  }
0x8c: {  	s17 =	sshll.u32 s0, $0xA;
	s2 =	sadd.s32 s3, s2  }
0x8d: {  	s2 =	sadd.s32 s2, s17  }
0x8e: {  	[smem:$0x3FC6] =	sst s2  }
0x8f: {  	_ = 	snop  }
0x90: {  	s2 =	sld [smem:$0x3FD0];
	(tm) =	ssettm $0x1  }
0x91: {  	s18 =	sld [smem:$0x3FFB];
	_ =	sdelay $0x3  }
0x92: {  	_ =	strace s18  }
0x93: {  	s3 =	sld [smem:$0x3FFC];
	_ =	sdelay $0x3  }
0x94: {  	_ =	strace s3  }
0x95: {  	s3 =	sld [smem:$0x3FFD];
	_ =	sdelay $0x3  }
0x96: {  	_ =	strace s3  }
0x97: {  	_ =	strace $0x8FFFFFFF  }
0x98: {  	s19 =	sld [smem:$0x3FDB];
	_ =	sdelay $0x1  }
0x99: {  	s4 =	simm.s32 $_scs_section_size  }
0x9a: {  	s5 =	simm.s32 $_size__tile_overlayer_lowered;
	s6 =	simm.s32 $_tile_overlayer_lowered  }
0x9b: {  	s22 =	simm.s32 $0x1BFF;
	s21 =	sshll.u32 s6, $0x1;
	s3 =	sadd.s32 s4, s19  }
0x9c: {  	s7 =	simm.s32 $0x0;
	s20 =	sshll.u32 s5, $0x1;
	s5 =	sadd.s32 s21, s3  }
0x9d: {  	[timem:s7], [sflag:s22] =	dma.local [hbm:s5], s20  }
0x9e: {  	_ =	swait.ge [sflag:s22], s20  }
0x9f: {  	s4 =	ssub.s32 $0x0, s20;
	[sflag:s22] =	ssyncset.done $0x0  }
0xa0: {  	[sflag:s22] =	ssyncadd.s32 s4;
	_ =	sdelay $0x1  }
0xa1: {  	s23 =	simm.s32 $0x1B8B  }
0xa2: {  	_ =	swait.ge [sflag:s23], $0x1  }
0xa3: {  	[sflag:s23] =	ssyncset.done $0x0  }
0xa4: {  	s25 =	simm.s32 $0x1B8E;
	s24 =	sld [smem:$0x3FFE];
	[sflag:s23] =	ssyncadd.s32 $0xFFFFFFFF  }
0xa5: {  	s26 =	simm.s32 $execute0_lowered;
	[smem:$0x3FD2] =	sst s25  }
0xa6: {  	s5 =	sshll.u32 s26, $0x1;
	_ =	strace $0x80000046;
	[dreg:$0x1] =	wrdreg $0xFFFFFFFF  }
0xa7: {  	s28 =	simm.s32 $_size_execute0_lowered;
	s3 =	sadd.s32 s3, s5;
	[dreg:$0x0] =	wrdreg $0x0  }
0xa8: {  	s5 =	sshll.u32 s28, $0x1;
	[dreg:$0x2] =	wrdreg s3  }
0xa9: {  	[dreg:$0x3] =	wrdreg s5  }
0xaa: {  	[dreg:$0x4] =	wrdreg $0xC0  }
0xab: {  	_ =	task [dreg:s7], $0x5FFFF  }
0xac: {  	[dreg:$0x1] =	wrdreg $0xFFFFFFFF  }
0xad: {  	[dreg:$0x0] =	wrdreg $0x60  }
0xae: {  	[dreg:$0x2] =	wrdreg s24  }
0xaf: {  	[dreg:$0x3] =	wrdreg s2  }
0xb0: {  	[dreg:$0x4] =	wrdreg $0x9  }
0xb1: {  	_ =	task.clear_ibuf [dreg:s7], $0x5FFFF;
	_ =	strace $0x90000046  }
0xb2: {  	s29 =	simm.s32 $0x9;
	_ =	strace $0x8000004E  }
0xb3: {  	_ =	swait.ge [sflag:s29], $0x1  }
0xb4: {  	[sflag:s29] =	ssyncadd.s32 $0xFFFFFFFF  }
0xb5: {  	_ =	strace $0x9000004E  }
0xb6: {  	_ =	sfence  }
0xb7: {  	s30 =	sld [smem:$0x0];
	_ =	sdelay $0x2  }
0xb8: {  	s31 =	sshll.u32 s1, $0xD;
	s1 =	sshrl.u32 s1, $0x2  }
0xb9: {  	s3 =	sand.u32 $0x4000, s31;
	s1 =	sadd.s32 s1, s30  }
0xba: {  	s0 =	sor.u32 s3, s0;
	s1 =	sshll.u32 s1, $0x11  }
0xbb: {  	s0 =	sor.u32 s1, s0  }
0xbc: {  	s0 =	sadd.s32 $0x8F2B, s0  }
0xbd: {  	[sflag:s0] =	ssyncadd.remote.s32 $0x1  }
0xbe: {  	_ =	sfence.sel $0xFFFF  }
0xbf: {  	[dreg:$0x0] =	wrdreg $0xFFFFFFFF;
	(pc) =	sbr.abs _section_cstart, $3  }
0xc0: {  	[dreg:$0x1] =	wrdreg $0xFFFFFFFF  }
0xc1: {  	_ =	task.clear_ibuf [dreg:s7], $0x2FFFF;
	_ =	strace $0x9FFFFFFF  }
0xc2: {  	(tm) =	ssettm $0x7FFFFFFF  }
0xc3: {  	_ =	shalt  }
tec
execute0_lowered:
.L_overlay_start_1:
0x0: {  	(tag) =	ssettag $0x1  }
0x1: {  	s1 =	srdreg.scid;
	s6 =	rddreg [dreg:$0x0]  }
0x2: {  	s0 =	stileid.u32;
	s2 =	rddreg [dreg:$0x1]  }
0x3: {  	s4 =	simm.s32 $0x0;
	s10 =	simm.s32 $0x6400;
	s11 =	simm.s32 $0x48  }
0x4: {  	s12 =	simm.s32 $0x8400;
	s13 =	simm.s32 $0x9600;
	s14 =	simm.s32 $0xB600  }
0x5: {  	s15 =	simm.s32 $0x1;
	s16 =	simm.s32 $0xC800;
	s17 =	simm.s32 $0x2  }
0x6: {  	s18 =	simm.s32 $0xFC00;
	s19 =	simm.s32 $0x3;
	s5 =	sand.u32 $0x1, s1  }
0x7: {  	s20 =	simm.s32 $0x4;
	s31 =	sshll.u32 s0, $0x8;
	s3 =	sshll.u32 s5, $0x7  }
0x8: {  	s21 =	simm.s32 $0x0;
	s1 =	rddreg [dreg:$0x2];
	s3 =	sor.u32 s3, s31  }
0x9: {  	v0 =	vlaneseq.u32;
	[smem:$0x7FF] =	sst s4;
	s8 =	ssub.s32 $0x2, s5;
	s7 =	smul.u32 $0x19, s3  }
0xa: {  	v0 =	vmul.u32 $0xD0, v0;
	_ =	strace $0x80000047;
	s5 =	sadd.s32 $0x19800, s6;
	s9 =	sshrl.u32 s8, $0x1  }
0xb: {  	s8 =	ssub.s32 s8, s9;
	s9 =	simm.s32 $0x80;
	s7 =	sadd.s32 s7, s6  }
0xc: {  	v1 =	vadd.s32 $0xD00, v0;
	v2 =	vadd.s32 $0x1A00, v0;
	v3 =	vadd.s32 $0x2700, v0;
	s6 =	sadd.s32 $0x800, s7;
	s7 =	smax.u32 s8, $0x1;
	s8 =	simm.s32 $0x5  }
.LBB2_1:
0xd: {  	[tilespmem:s4], [sflag:$0x5] =	stream.linear.gather [hbm4b:s6+s4], $0x6400, $0x38;
	[tilespmem:$0x13000] =	vst v63  }
0xe: {  	_ =	swait.ge [sflag:s8], $0x6400  }
0xf: {  	[sflag:s8] =	ssyncset.done $0x0  }
0x10: {  	[sflag:s8] =	ssyncadd.s32 $0xFFFF9C00  }
0x11: {  	[tilespmem:s10], [sflag:$0x1] =	stream.indirect.gather [hbm4b:s5+s9], $0x40, s4, s9, $0xb8;
	[tilespmem:$0x13000] =	vst v63  }
0x12: {  	s22 =	simm.s32 $0x0  }
0x13: {  	[tilespmem:s12], [sflag:$0x1] =	stream.indirect.gather [hbm4b:s5+s11], $0x40, s9, s11, $0xb8;
	[tilespmem:$0x13000] =	vst v63  }
.LBB2_2:
0x14: {  	s23 =	sshllo.u32 s22, $0x1  }
0x15: {  	s24 =	smul.u32 $0x320, s23;
	_ =	sdelay $0x1  }
0x16: {  	s24 =	sshra.s32 s24, $0x2  }
0x17: {  	[tilespmem:s13], [sflag:$0x2] =	stream.indirect.gather [hbm4b:s5+s9], $0x40, s24, s9, $0xb8;
	[tilespmem:$0x13000] =	vst v63  }
0x18: {  	s24 =	sadd.s32 $0x80, s24  }
0x19: {  	[tilespmem:s14], [sflag:$0x2] =	stream.indirect.gather [hbm4b:s5+s11], $0x40, s24, s11, $0xb8;
	[tilespmem:$0x13000] =	vst v63  }
0x1a: {  	_ =	strace $0x80000048  }
0x1b: {  	_ =	swait.ge [sflag:s15], $0x2000  }
0x1c: {  	[sflag:s15] =	ssyncset.done $0x0  }
0x1d: {  	[sflag:s15] =	ssyncadd.s32 $0xFFFFE000  }
0x1e: {  	_ =	swait.ge [sflag:s15], $0x1200  }
0x1f: {  	[sflag:s15] =	ssyncset.done $0x0  }
0x20: {  	[sflag:s15] =	ssyncadd.s32 $0xFFFFEE00  }
0x21: {  	p0 =	seq.s32 s22, $0x0;
	_ =	strace $0x90000048  }
0x22: {  	s24 =	simm.s32 @!p0 $0x3;
	_ =	strace $0x80000049  }
0x23: {  	_ =	swait.ge @!p0 [sflag:s24], $0x3200  }
0x24: {  	[sflag:s24] =	ssyncset.done @!p0 $0x0  }
0x25: {  	s25 =	simm.s32 $0x0;
	[sflag:s24] =	ssyncadd.s32 @!p0 $0xFFFFCE00  }
0x26: {  	v4 =	vmov s25;
	_ =	strace $0x90000049  }
0x27: {  	s25 =	simm.s32 $0x6480;
	v4 =	vand.u32 $0xFC, v4;
	_ =	strace $0x8000004A  }
0x28: {  	v6 =	vadd.s32 v0, v4;
	v5 =	vld [tilespmem:s25+$0xFFFFFF80];
	_ =	sdelay $0x4  }
0x29: {  	[tilespmem:v6+s16+$0x0] =	vst.idx.msk $0xffff, v5  }
0x2a: {  	v6 =	vadd.s32 v1, v4;
	v5 =	vld [tilespmem:s25+$0xFFFFFF90];
	_ =	sdelay $0x4  }
0x2b: {  	[tilespmem:v6+s16+$0x0] =	vst.idx.msk $0xffff, v5  }
0x2c: {  	v6 =	vadd.s32 v2, v4;
	v5 =	vld [tilespmem:s25+$0xFFFFFFA0];
	_ =	sdelay $0x4  }
0x2d: {  	[tilespmem:v6+s16+$0x0] =	vst.idx.msk $0xffff, v5  }
0x2e: {  	v4 =	vadd.s32 v3, v4;
	v5 =	vld [tilespmem:s25+$0xFFFFFFB0];
	_ =	sdelay $0x2  }
0x2f: {  	s26 =	simm.s32 $0x1  }
0x30: {  	v6 =	vmov s26  }
0x31: {  	[tilespmem:v4+s16+$0x0] =	vst.idx.msk $0xffff, v5;
	v4 =	vand.u32 $0xFD, v6  }
0x32: {  	v5 =	vld [tilespmem:s25+$0xFFFFFFC0];
	v6 =	vadd.s32 v0, v4;
	_ =	sdelay $0x4  }
0x33: {  	[tilespmem:v6+s16+$0x0] =	vst.idx.msk $0xffff, v5  }
0x34: {  	v6 =	vadd.s32 v1, v4;
	v5 =	vld [tilespmem:s25+$0xFFFFFFD0];
	_ =	sdelay $0x4  }
0x35: {  	[tilespmem:v6+s16+$0x0] =	vst.idx.msk $0xffff, v5  }
0x36: {  	v6 =	vadd.s32 v2, v4;
	v5 =	vld [tilespmem:s25+$0xFFFFFFE0];
	_ =	sdelay $0x4  }
0x37: {  	[tilespmem:v6+s16+$0x0] =	vst.idx.msk $0xffff, v5  }
0x38: {  	v4 =	vadd.s32 v3, v4;
	v5 =	vld [tilespmem:s25+$0xFFFFFFF0];
	_ =	sdelay $0x2  }
0x39: {  	s30 =	simm.s32 $0x2  }
0x3a: {  	v6 =	vmov s30  }
0x3b: {  	[tilespmem:v4+s16+$0x0] =	vst.idx.msk $0xffff, v5;
	v4 =	vand.u32 $0xFE, v6  }
0x3c: {  	v5 =	vld [tilespmem:s25+$0x0];
	v6 =	vadd.s32 v0, v4;
	_ =	sdelay $0x4  }
0x3d: {  	[tilespmem:v6+s16+$0x0] =	vst.idx.msk $0xffff, v5  }
0x3e: {  	v6 =	vadd.s32 v1, v4;
	v5 =	vld [tilespmem:s25+$0x10];
	_ =	sdelay $0x4  }
0x3f: {  	[tilespmem:v6+s16+$0x0] =	vst.idx.msk $0xffff, v5  }
0x40: {  	v6 =	vadd.s32 v2, v4;
	v5 =	vld [tilespmem:s25+$0x20];
	_ =	sdelay $0x4  }
0x41: {  	[tilespmem:v6+s16+$0x0] =	vst.idx.msk $0xffff, v5  }
0x42: {  	v4 =	vadd.s32 v3, v4;
	v5 =	vld [tilespmem:s25+$0x30];
	_ =	sdelay $0x2  }
0x43: {  	s31 =	simm.s32 $0x3  }
0x44: {  	v6 =	vmov s31  }
0x45: {  	[tilespmem:v4+s16+$0x0] =	vst.idx.msk $0xffff, v5;
	v5 =	vand.u32 $0xFF, v6  }
0x46: {  	v4 =	vld [tilespmem:s25+$0x40];
	v6 =	vadd.s32 v0, v5;
	_ =	sdelay $0x4  }
0x47: {  	[tilespmem:v6+s16+$0x0] =	vst.idx.msk $0xffff, v4  }
0x48: {  	v6 =	vadd.s32 v1, v5;
	v4 =	vld [tilespmem:s25+$0x50];
	_ =	sdelay $0x4  }
0x49: {  	[tilespmem:v6+s16+$0x0] =	vst.idx.msk $0xffff, v4  }
0x4a: {  	v6 =	vadd.s32 v2, v5;
	v4 =	vld [tilespmem:s25+$0x60];
	_ =	sdelay $0x4  }
0x4b: {  	[tilespmem:v6+s16+$0x0] =	vst.idx.msk $0xffff, v4  }
0x4c: {  	v5 =	vadd.s32 v3, v5;
	v4 =	vld [tilespmem:s25+$0x70];
	_ =	sdelay $0x1  }
0x4d: {  	s29 =	simm.s32 $0x4  }
0x4e: {  	s28 =	simm.s32 $0xB;
	s24 =	sshll.u32 s22, $0x1;
	s26 =	simm.s32 $0x7  }
.LBB2_3:
0x4f: {  	p1 =	sne.s32 s28, $0xC7;
	v6 =	vmov s29  }
0x50: {  	s25 =	sadd.s32 $0x100, s25;
	v6 =	vand.u32 $0xFC, v6;
	[tilespmem:v5+s16+$0x0] =	vst.idx.msk $0xffff, v4  }
0x51: {  	v4 =	vld [tilespmem:s25+$0xFFFFFF80];
	v5 =	vadd.s32 v0, v6;
	_ =	sdelay $0x4  }
0x52: {  	[tilespmem:v5+s16+$0x0] =	vst.idx.msk $0xffff, v4  }
0x53: {  	v5 =	vadd.s32 v1, v6;
	v4 =	vld [tilespmem:s25+$0xFFFFFF90];
	_ =	sdelay $0x4  }
0x54: {  	[tilespmem:v5+s16+$0x0] =	vst.idx.msk $0xffff, v4  }
0x55: {  	v5 =	vadd.s32 v2, v6;
	v4 =	vld [tilespmem:s25+$0xFFFFFFA0];
	_ =	sdelay $0x4  }
0x56: {  	[tilespmem:v5+s16+$0x0] =	vst.idx.msk $0xffff, v4  }
0x57: {  	v5 =	vadd.s32 v3, v6;
	v4 =	vld [tilespmem:s25+$0xFFFFFFB0];
	_ =	sdelay $0x2  }
0x58: {  	s29 =	sadd.s32 $0xFFFFFFFE, s26  }
0x59: {  	v6 =	vmov s29  }
0x5a: {  	[tilespmem:v5+s16+$0x0] =	vst.idx.msk $0xffff, v4;
	v4 =	vand.u32 $0xFD, v6  }
0x5b: {  	v5 =	vld [tilespmem:s25+$0xFFFFFFC0];
	v6 =	vadd.s32 v0, v4;
	_ =	sdelay $0x4  }
0x5c: {  	[tilespmem:v6+s16+$0x0] =	vst.idx.msk $0xffff, v5  }
0x5d: {  	v6 =	vadd.s32 v1, v4;
	v5 =	vld [tilespmem:s25+$0xFFFFFFD0];
	_ =	sdelay $0x4  }
0x5e: {  	[tilespmem:v6+s16+$0x0] =	vst.idx.msk $0xffff, v5  }
0x5f: {  	v6 =	vadd.s32 v2, v4;
	v5 =	vld [tilespmem:s25+$0xFFFFFFE0];
	_ =	sdelay $0x4  }
0x60: {  	[tilespmem:v6+s16+$0x0] =	vst.idx.msk $0xffff, v5  }
0x61: {  	v4 =	vadd.s32 v3, v4;
	v5 =	vld [tilespmem:s25+$0xFFFFFFF0];
	_ =	sdelay $0x2  }
0x62: {  	s29 =	sadd.s32 $0xFFFFFFFF, s26  }
0x63: {  	v6 =	vmov s29  }
0x64: {  	[tilespmem:v4+s16+$0x0] =	vst.idx.msk $0xffff, v5;
	v4 =	vand.u32 $0xFE, v6  }
0x65: {  	v5 =	vld [tilespmem:s25+$0x0];
	v6 =	vadd.s32 v0, v4;
	_ =	sdelay $0x4  }
0x66: {  	[tilespmem:v6+s16+$0x0] =	vst.idx.msk $0xffff, v5  }
0x67: {  	v6 =	vadd.s32 v1, v4;
	v5 =	vld [tilespmem:s25+$0x10];
	_ =	sdelay $0x4  }
0x68: {  	[tilespmem:v6+s16+$0x0] =	vst.idx.msk $0xffff, v5  }
0x69: {  	v6 =	vadd.s32 v2, v4;
	v5 =	vld [tilespmem:s25+$0x20];
	_ =	sdelay $0x4  }
0x6a: {  	[tilespmem:v6+s16+$0x0] =	vst.idx.msk $0xffff, v5  }
0x6b: {  	v4 =	vadd.s32 v3, v4;
	v5 =	vld [tilespmem:s25+$0x30];
	_ =	sdelay $0x3  }
0x6c: {  	v6 =	vmov s26;
	s26 =	smov.u32 s28  }
0x6d: {  	[tilespmem:v4+s16+$0x0] =	vst.idx.msk $0xffff, v5;
	v5 =	vand.u32 $0xFF, v6  }
0x6e: {  	v4 =	vld [tilespmem:s25+$0x40];
	v6 =	vadd.s32 v0, v5;
	_ =	sdelay $0x4  }
0x6f: {  	[tilespmem:v6+s16+$0x0] =	vst.idx.msk $0xffff, v4  }
0x70: {  	v6 =	vadd.s32 v1, v5;
	v4 =	vld [tilespmem:s25+$0x50];
	_ =	sdelay $0x4  }
0x71: {  	[tilespmem:v6+s16+$0x0] =	vst.idx.msk $0xffff, v4  }
0x72: {  	v6 =	vadd.s32 v2, v5;
	v4 =	vld [tilespmem:s25+$0x60];
	_ =	sdelay $0x4  }
.Ltmp0:
0x73: {  	[tilespmem:v6+s16+$0x0] =	vst.idx.msk $0xffff, v4;
	(pc) =	sbr.rel @p1 .LBB2_3-.Ltmp0, $2  }
0x74: {  	v5 =	vadd.s32 v3, v5;
	v4 =	vld [tilespmem:s25+$0x70];
	_ =	sdelay $0x2  }
0x75: {  	s28 =	sadd.s32 $0x4, s28;
	s29 =	sadd.s32 $0xFFFFFFFD, s26  }
0x76: {  	_ =	sdelay $0x2  }
0x77: {  	v6 =	vmov s29  }
0x78: {  	s25 =	sadd.s32 $0x100, s25;
	v6 =	vand.u32 $0xFC, v6;
	[tilespmem:v5+s16+$0x0] =	vst.idx.msk $0xffff, v4  }
0x79: {  	v4 =	vld [tilespmem:s25+$0xFFFFFF80];
	v5 =	vadd.s32 v0, v6;
	_ =	sdelay $0x4  }
0x7a: {  	[tilespmem:v5+s16+$0x0] =	vst.idx.msk $0xffff, v4  }
0x7b: {  	v5 =	vadd.s32 v1, v6;
	v4 =	vld [tilespmem:s25+$0xFFFFFF90];
	_ =	sdelay $0x4  }
0x7c: {  	[tilespmem:v5+s16+$0x0] =	vst.idx.msk $0xffff, v4  }
0x7d: {  	v5 =	vadd.s32 v2, v6;
	v4 =	vld [tilespmem:s25+$0xFFFFFFA0];
	_ =	sdelay $0x4  }
0x7e: {  	[tilespmem:v5+s16+$0x0] =	vst.idx.msk $0xffff, v4  }
0x7f: {  	v5 =	vadd.s32 v3, v6;
	v4 =	vld [tilespmem:s25+$0xFFFFFFB0];
	_ =	sdelay $0x2  }
0x80: {  	s28 =	sadd.s32 $0xFFFFFFFE, s26  }
0x81: {  	v55 =	vmov s28  }
0x82: {  	[tilespmem:v5+s16+$0x0] =	vst.idx.msk $0xffff, v4;
	v4 =	vand.u32 $0xFD, v55  }
0x83: {  	v5 =	vld [tilespmem:s25+$0xFFFFFFC0];
	v6 =	vadd.s32 v0, v4;
	_ =	sdelay $0x4  }
0x84: {  	[tilespmem:v6+s16+$0x0] =	vst.idx.msk $0xffff, v5  }
0x85: {  	v56 =	vadd.s32 v1, v4;
	v5 =	vld [tilespmem:s25+$0xFFFFFFD0];
	_ =	sdelay $0x4  }
0x86: {  	[tilespmem:v56+s16+$0x0] =	vst.idx.msk $0xffff, v5  }
0x87: {  	v57 =	vadd.s32 v2, v4;
	v5 =	vld [tilespmem:s25+$0xFFFFFFE0];
	_ =	sdelay $0x4  }
0x88: {  	[tilespmem:v57+s16+$0x0] =	vst.idx.msk $0xffff, v5  }
0x89: {  	v4 =	vadd.s32 v3, v4;
	v5 =	vld [tilespmem:s25+$0xFFFFFFF0];
	_ =	sdelay $0x2  }
0x8a: {  	s28 =	sadd.s32 $0xFFFFFFFF, s26  }
0x8b: {  	v58 =	vmov s28  }
0x8c: {  	[tilespmem:v4+s16+$0x0] =	vst.idx.msk $0xffff, v5;
	v4 =	vand.u32 $0xFE, v58  }
0x8d: {  	v5 =	vld [tilespmem:s25+$0x0];
	v6 =	vadd.s32 v0, v4;
	_ =	sdelay $0x4  }
0x8e: {  	[tilespmem:v6+s16+$0x0] =	vst.idx.msk $0xffff, v5  }
0x8f: {  	v59 =	vadd.s32 v1, v4;
	v5 =	vld [tilespmem:s25+$0x10];
	_ =	sdelay $0x4  }
0x90: {  	[tilespmem:v59+s16+$0x0] =	vst.idx.msk $0xffff, v5  }
0x91: {  	v60 =	vadd.s32 v2, v4;
	v5 =	vld [tilespmem:s25+$0x20];
	_ =	sdelay $0x4  }
0x92: {  	[tilespmem:v60+s16+$0x0] =	vst.idx.msk $0xffff, v5  }
0x93: {  	v4 =	vadd.s32 v3, v4;
	v5 =	vld [tilespmem:s25+$0x30];
	_ =	sdelay $0x3  }
0x94: {  	v61 =	vmov s26  }
0x95: {  	[tilespmem:v4+s16+$0x0] =	vst.idx.msk $0xffff, v5;
	v4 =	vand.u32 $0xFF, v61  }
0x96: {  	v5 =	vld [tilespmem:s25+$0x40];
	v6 =	vadd.s32 v0, v4;
	_ =	sdelay $0x4  }
0x97: {  	[tilespmem:v6+s16+$0x0] =	vst.idx.msk $0xffff, v5  }
0x98: {  	v62 =	vadd.s32 v1, v4;
	v5 =	vld [tilespmem:s25+$0x50];
	_ =	sdelay $0x4  }
0x99: {  	[tilespmem:v62+s16+$0x0] =	vst.idx.msk $0xffff, v5  }
0x9a: {  	v63 =	vadd.s32 v2, v4;
	v5 =	vld [tilespmem:s25+$0x60];
	_ =	sdelay $0x4  }
0x9b: {  	[tilespmem:v63+s16+$0x0] =	vst.idx.msk $0xffff, v5  }
0x9c: {  	v4 =	vadd.s32 v3, v4;
	v5 =	vld [tilespmem:s25+$0x70];
	_ =	sdelay $0x1  }
0x9d: {  	s24 =	sadd.s32 s3, s24  }
0x9e: {  	s24 =	smul.u32 $0x640, s24;
	_ =	sdelay $0x1  }
0x9f: {  	s26 =	simm.s32 $0x19;
	s28 =	simm.s32 $0xC8D0;
	s25 =	sadd.s32 s2, s24;
	[tilespmem:v4+s16+$0x0] =	vst.idx.msk $0xffff, v5  }
0xa0: {  	s24 =	simm.s32 $0xC800;
	s29 =	sadd.s32 $0x0, s25;
	_ =	strace $0x9000004A  }
.LBB2_5:
0xa1: {  	[hbm4b:s29+s4] =	stream.linear.scatter [tilespmem:s24], [sflag:$0x3], $0xC8, $0x38;
	[tilespmem:$0x13000] =	vst v63  }
0xa2: {  	s29 =	smov.u32 s26;
	s24 =	smov.u32 s28;
	p1 =	sne.s32 s26, $0x627  }
.Ltmp1:
0xa3: {  	s26 =	sadd.s32 $0x19, s26;
	(pc) =	sbr.rel @p1 .LBB2_5-.Ltmp1, $2  }
0xa4: {  	_ =	sdelay $0x2  }
0xa5: {  	s28 =	sadd.s32 $0xD0, s28;
	s29 =	sadd.s32 s29, s25  }
0xa6: {  	p1 =	seq.s32 s22, $0x3F  }
0xa7: {  	s25 =	smul.u32 @!p1 $0x640, s22  }
0xa8: {  	[hbm4b:s29+s4] =	stream.linear.scatter [tilespmem:s24], [sflag:$0x3], $0xC8, $0x38;
	[tilespmem:$0x13000] =	vst v63  }
0xa9: {  	s24 =	sshra.s32 @!p1 s25, $0x2  }
0xaa: {  	s26 =	simm.s32 @!p1 $0x80;
	s28 =	simm.s32 @!p1 $0x6400;
	s25 =	sadd.s32 @!p1 $0x190, s24  }
0xab: {  	[tilespmem:s28], [sflag:$0x1] =	stream.indirect.gather @!p1 [hbm4b:s5+s26], $0x40, s25, s26, $0xb8;
	[tilespmem:$0x13000] =	vst v63  }
0xac: {  	s24 =	sadd.s32 @!p1 $0x210, s24;
	s25 =	simm.s32 @!p1 $0x48;
	s26 =	simm.s32 @!p1 $0x8400  }
0xad: {  	[tilespmem:s26], [sflag:$0x1] =	stream.indirect.gather @!p1 [hbm4b:s5+s25], $0x40, s24, s25, $0xb8;
	[tilespmem:$0x13000] =	vst v63  }
0xae: {  	_ =	strace $0x8000004B  }
0xaf: {  	_ =	swait.ge [sflag:s17], $0x2000  }
0xb0: {  	[sflag:s17] =	ssyncset.done $0x0  }
0xb1: {  	[sflag:s17] =	ssyncadd.s32 $0xFFFFE000  }
0xb2: {  	_ =	swait.ge [sflag:s17], $0x1200  }
0xb3: {  	[sflag:s17] =	ssyncset.done $0x0  }
0xb4: {  	[sflag:s17] =	ssyncadd.s32 $0xFFFFEE00  }
0xb5: {  	_ =	strace $0x9000004B  }
0xb6: {  	s24 =	simm.s32 @!p0 $0x4;
	_ =	strace $0x8000004C  }
0xb7: {  	_ =	swait.ge @!p0 [sflag:s24], $0x3200  }
0xb8: {  	[sflag:s24] =	ssyncset.done @!p0 $0x0  }
0xb9: {  	s26 =	simm.s32 $0x0;
	[sflag:s24] =	ssyncadd.s32 @!p0 $0xFFFFCE00  }
0xba: {  	v4 =	vmov s26;
	_ =	strace $0x9000004C  }
0xbb: {  	v4 =	vand.u32 $0xFC, v4;
	s24 =	simm.s32 $0x9680;
	_ =	strace $0x8000004D  }
0xbc: {  	v6 =	vadd.s32 v0, v4;
	v5 =	vld [tilespmem:s24+$0xFFFFFF80];
	_ =	sdelay $0x4  }
0xbd: {  	[tilespmem:v6+s18+$0x0] =	vst.idx.msk $0xffff, v5  }
0xbe: {  	v6 =	vadd.s32 v1, v4;
	v5 =	vld [tilespmem:s24+$0xFFFFFF90];
	_ =	sdelay $0x4  }
0xbf: {  	[tilespmem:v6+s18+$0x0] =	vst.idx.msk $0xffff, v5  }
0xc0: {  	v6 =	vadd.s32 v2, v4;
	v5 =	vld [tilespmem:s24+$0xFFFFFFA0];
	_ =	sdelay $0x4  }
0xc1: {  	[tilespmem:v6+s18+$0x0] =	vst.idx.msk $0xffff, v5  }
0xc2: {  	v4 =	vadd.s32 v3, v4;
	v5 =	vld [tilespmem:s24+$0xFFFFFFB0];
	_ =	sdelay $0x2  }
0xc3: {  	s29 =	simm.s32 $0x1  }
0xc4: {  	v6 =	vmov s29  }
0xc5: {  	[tilespmem:v4+s18+$0x0] =	vst.idx.msk $0xffff, v5;
	v4 =	vand.u32 $0xFD, v6  }
0xc6: {  	v5 =	vld [tilespmem:s24+$0xFFFFFFC0];
	v6 =	vadd.s32 v0, v4;
	_ =	sdelay $0x4  }
0xc7: {  	[tilespmem:v6+s18+$0x0] =	vst.idx.msk $0xffff, v5  }
0xc8: {  	v6 =	vadd.s32 v1, v4;
	v5 =	vld [tilespmem:s24+$0xFFFFFFD0];
	_ =	sdelay $0x4  }
0xc9: {  	[tilespmem:v6+s18+$0x0] =	vst.idx.msk $0xffff, v5  }
0xca: {  	v6 =	vadd.s32 v2, v4;
	v5 =	vld [tilespmem:s24+$0xFFFFFFE0];
	_ =	sdelay $0x4  }
0xcb: {  	[tilespmem:v6+s18+$0x0] =	vst.idx.msk $0xffff, v5  }
0xcc: {  	v4 =	vadd.s32 v3, v4;
	v5 =	vld [tilespmem:s24+$0xFFFFFFF0];
	_ =	sdelay $0x2  }
0xcd: {  	s30 =	simm.s32 $0x2  }
0xce: {  	v6 =	vmov s30  }
0xcf: {  	[tilespmem:v4+s18+$0x0] =	vst.idx.msk $0xffff, v5;
	v4 =	vand.u32 $0xFE, v6  }
0xd0: {  	v5 =	vld [tilespmem:s24+$0x0];
	v6 =	vadd.s32 v0, v4;
	_ =	sdelay $0x4  }
0xd1: {  	[tilespmem:v6+s18+$0x0] =	vst.idx.msk $0xffff, v5  }
0xd2: {  	v6 =	vadd.s32 v1, v4;
	v5 =	vld [tilespmem:s24+$0x10];
	_ =	sdelay $0x4  }
0xd3: {  	[tilespmem:v6+s18+$0x0] =	vst.idx.msk $0xffff, v5  }
0xd4: {  	v6 =	vadd.s32 v2, v4;
	v5 =	vld [tilespmem:s24+$0x20];
	_ =	sdelay $0x4  }
0xd5: {  	[tilespmem:v6+s18+$0x0] =	vst.idx.msk $0xffff, v5  }
0xd6: {  	v4 =	vadd.s32 v3, v4;
	v5 =	vld [tilespmem:s24+$0x30];
	_ =	sdelay $0x2  }
0xd7: {  	s31 =	simm.s32 $0x3  }
0xd8: {  	v6 =	vmov s31  }
0xd9: {  	[tilespmem:v4+s18+$0x0] =	vst.idx.msk $0xffff, v5;
	v5 =	vand.u32 $0xFF, v6  }
0xda: {  	v4 =	vld [tilespmem:s24+$0x40];
	v6 =	vadd.s32 v0, v5;
	_ =	sdelay $0x4  }
0xdb: {  	[tilespmem:v6+s18+$0x0] =	vst.idx.msk $0xffff, v4  }
0xdc: {  	v6 =	vadd.s32 v1, v5;
	v4 =	vld [tilespmem:s24+$0x50];
	_ =	sdelay $0x4  }
0xdd: {  	[tilespmem:v6+s18+$0x0] =	vst.idx.msk $0xffff, v4  }
0xde: {  	v6 =	vadd.s32 v2, v5;
	v4 =	vld [tilespmem:s24+$0x60];
	_ =	sdelay $0x4  }
0xdf: {  	[tilespmem:v6+s18+$0x0] =	vst.idx.msk $0xffff, v4  }
0xe0: {  	v5 =	vadd.s32 v3, v5;
	v4 =	vld [tilespmem:s24+$0x70];
	_ =	sdelay $0x2  }
0xe1: {  	s28 =	simm.s32 $0x4;
	s25 =	simm.s32 $0x7;
	s26 =	simm.s32 $0xB  }
.LBB2_7:
0xe2: {  	p0 =	sne.s32 s26, $0xC7;
	v6 =	vmov s28  }
0xe3: {  	s24 =	sadd.s32 $0x100, s24;
	v6 =	vand.u32 $0xFC, v6;
	[tilespmem:v5+s18+$0x0] =	vst.idx.msk $0xffff, v4  }
0xe4: {  	v4 =	vld [tilespmem:s24+$0xFFFFFF80];
	v5 =	vadd.s32 v0, v6;
	_ =	sdelay $0x4  }
0xe5: {  	[tilespmem:v5+s18+$0x0] =	vst.idx.msk $0xffff, v4  }
0xe6: {  	v5 =	vadd.s32 v1, v6;
	v4 =	vld [tilespmem:s24+$0xFFFFFF90];
	_ =	sdelay $0x4  }
0xe7: {  	[tilespmem:v5+s18+$0x0] =	vst.idx.msk $0xffff, v4  }
0xe8: {  	v5 =	vadd.s32 v2, v6;
	v4 =	vld [tilespmem:s24+$0xFFFFFFA0];
	_ =	sdelay $0x4  }
0xe9: {  	[tilespmem:v5+s18+$0x0] =	vst.idx.msk $0xffff, v4  }
0xea: {  	v5 =	vadd.s32 v3, v6;
	v4 =	vld [tilespmem:s24+$0xFFFFFFB0];
	_ =	sdelay $0x2  }
0xeb: {  	s28 =	sadd.s32 $0xFFFFFFFE, s25  }
0xec: {  	v6 =	vmov s28  }
0xed: {  	[tilespmem:v5+s18+$0x0] =	vst.idx.msk $0xffff, v4;
	v4 =	vand.u32 $0xFD, v6  }
0xee: {  	v5 =	vld [tilespmem:s24+$0xFFFFFFC0];
	v6 =	vadd.s32 v0, v4;
	_ =	sdelay $0x4  }
0xef: {  	[tilespmem:v6+s18+$0x0] =	vst.idx.msk $0xffff, v5  }
0xf0: {  	v6 =	vadd.s32 v1, v4;
	v5 =	vld [tilespmem:s24+$0xFFFFFFD0];
	_ =	sdelay $0x4  }
0xf1: {  	[tilespmem:v6+s18+$0x0] =	vst.idx.msk $0xffff, v5  }
0xf2: {  	v6 =	vadd.s32 v2, v4;
	v5 =	vld [tilespmem:s24+$0xFFFFFFE0];
	_ =	sdelay $0x4  }
0xf3: {  	[tilespmem:v6+s18+$0x0] =	vst.idx.msk $0xffff, v5  }
0xf4: {  	v4 =	vadd.s32 v3, v4;
	v5 =	vld [tilespmem:s24+$0xFFFFFFF0];
	_ =	sdelay $0x2  }
0xf5: {  	s28 =	sadd.s32 $0xFFFFFFFF, s25  }
0xf6: {  	v6 =	vmov s28  }
0xf7: {  	[tilespmem:v4+s18+$0x0] =	vst.idx.msk $0xffff, v5;
	v4 =	vand.u32 $0xFE, v6  }
0xf8: {  	v5 =	vld [tilespmem:s24+$0x0];
	v6 =	vadd.s32 v0, v4;
	_ =	sdelay $0x4  }
0xf9: {  	[tilespmem:v6+s18+$0x0] =	vst.idx.msk $0xffff, v5  }
0xfa: {  	v6 =	vadd.s32 v1, v4;
	v5 =	vld [tilespmem:s24+$0x10];
	_ =	sdelay $0x4  }
0xfb: {  	[tilespmem:v6+s18+$0x0] =	vst.idx.msk $0xffff, v5  }
0xfc: {  	v6 =	vadd.s32 v2, v4;
	v5 =	vld [tilespmem:s24+$0x20];
	_ =	sdelay $0x4  }
0xfd: {  	[tilespmem:v6+s18+$0x0] =	vst.idx.msk $0xffff, v5  }
0xfe: {  	v4 =	vadd.s32 v3, v4;
	v5 =	vld [tilespmem:s24+$0x30];
	_ =	sdelay $0x3  }
0xff: {  	v6 =	vmov s25;
	s25 =	smov.u32 s26  }
0x100: {  	[tilespmem:v4+s18+$0x0] =	vst.idx.msk $0xffff, v5;
	v5 =	vand.u32 $0xFF, v6  }
0x101: {  	v4 =	vld [tilespmem:s24+$0x40];
	v6 =	vadd.s32 v0, v5;
	_ =	sdelay $0x4  }
0x102: {  	[tilespmem:v6+s18+$0x0] =	vst.idx.msk $0xffff, v4  }
0x103: {  	v6 =	vadd.s32 v1, v5;
	v4 =	vld [tilespmem:s24+$0x50];
	_ =	sdelay $0x4  }
0x104: {  	[tilespmem:v6+s18+$0x0] =	vst.idx.msk $0xffff, v4  }
0x105: {  	v6 =	vadd.s32 v2, v5;
	v4 =	vld [tilespmem:s24+$0x60];
	_ =	sdelay $0x4  }
.Ltmp2:
0x106: {  	[tilespmem:v6+s18+$0x0] =	vst.idx.msk $0xffff, v4;
	(pc) =	sbr.rel @p0 .LBB2_7-.Ltmp2, $2  }
0x107: {  	v5 =	vadd.s32 v3, v5;
	v4 =	vld [tilespmem:s24+$0x70];
	_ =	sdelay $0x2  }
0x108: {  	s26 =	sadd.s32 $0x4, s26;
	s28 =	sadd.s32 $0xFFFFFFFD, s25  }
0x109: {  	_ =	sdelay $0x2  }
0x10a: {  	v6 =	vmov s28  }
0x10b: {  	s24 =	sadd.s32 $0x100, s24;
	v6 =	vand.u32 $0xFC, v6;
	[tilespmem:v5+s18+$0x0] =	vst.idx.msk $0xffff, v4  }
0x10c: {  	v4 =	vld [tilespmem:s24+$0xFFFFFF80];
	v5 =	vadd.s32 v0, v6;
	_ =	sdelay $0x4  }
0x10d: {  	[tilespmem:v5+s18+$0x0] =	vst.idx.msk $0xffff, v4  }
0x10e: {  	v5 =	vadd.s32 v1, v6;
	v4 =	vld [tilespmem:s24+$0xFFFFFF90];
	_ =	sdelay $0x4  }
0x10f: {  	[tilespmem:v5+s18+$0x0] =	vst.idx.msk $0xffff, v4  }
0x110: {  	v5 =	vadd.s32 v2, v6;
	v4 =	vld [tilespmem:s24+$0xFFFFFFA0];
	_ =	sdelay $0x4  }
0x111: {  	[tilespmem:v5+s18+$0x0] =	vst.idx.msk $0xffff, v4  }
0x112: {  	v5 =	vadd.s32 v3, v6;
	v4 =	vld [tilespmem:s24+$0xFFFFFFB0];
	_ =	sdelay $0x2  }
0x113: {  	s26 =	sadd.s32 $0xFFFFFFFE, s25  }
0x114: {  	v55 =	vmov s26  }
0x115: {  	[tilespmem:v5+s18+$0x0] =	vst.idx.msk $0xffff, v4;
	v4 =	vand.u32 $0xFD, v55  }
0x116: {  	v5 =	vld [tilespmem:s24+$0xFFFFFFC0];
	v6 =	vadd.s32 v0, v4;
	_ =	sdelay $0x4  }
0x117: {  	[tilespmem:v6+s18+$0x0] =	vst.idx.msk $0xffff, v5  }
0x118: {  	v56 =	vadd.s32 v1, v4;
	v5 =	vld [tilespmem:s24+$0xFFFFFFD0];
	_ =	sdelay $0x4  }
0x119: {  	[tilespmem:v56+s18+$0x0] =	vst.idx.msk $0xffff, v5  }
0x11a: {  	v57 =	vadd.s32 v2, v4;
	v5 =	vld [tilespmem:s24+$0xFFFFFFE0];
	_ =	sdelay $0x4  }
0x11b: {  	[tilespmem:v57+s18+$0x0] =	vst.idx.msk $0xffff, v5  }
0x11c: {  	v4 =	vadd.s32 v3, v4;
	v5 =	vld [tilespmem:s24+$0xFFFFFFF0];
	_ =	sdelay $0x2  }
0x11d: {  	s31 =	sadd.s32 $0xFFFFFFFF, s25  }
0x11e: {  	v58 =	vmov s31  }
0x11f: {  	[tilespmem:v4+s18+$0x0] =	vst.idx.msk $0xffff, v5;
	v4 =	vand.u32 $0xFE, v58  }
0x120: {  	v5 =	vld [tilespmem:s24+$0x0];
	v6 =	vadd.s32 v0, v4;
	_ =	sdelay $0x4  }
0x121: {  	[tilespmem:v6+s18+$0x0] =	vst.idx.msk $0xffff, v5  }
0x122: {  	v59 =	vadd.s32 v1, v4;
	v5 =	vld [tilespmem:s24+$0x10];
	_ =	sdelay $0x4  }
0x123: {  	[tilespmem:v59+s18+$0x0] =	vst.idx.msk $0xffff, v5  }
0x124: {  	v60 =	vadd.s32 v2, v4;
	v5 =	vld [tilespmem:s24+$0x20];
	_ =	sdelay $0x4  }
0x125: {  	[tilespmem:v60+s18+$0x0] =	vst.idx.msk $0xffff, v5  }
0x126: {  	v4 =	vadd.s32 v3, v4;
	v5 =	vld [tilespmem:s24+$0x30];
	_ =	sdelay $0x3  }
0x127: {  	v61 =	vmov s25  }
0x128: {  	[tilespmem:v4+s18+$0x0] =	vst.idx.msk $0xffff, v5;
	v4 =	vand.u32 $0xFF, v61  }
0x129: {  	v5 =	vld [tilespmem:s24+$0x40];
	v6 =	vadd.s32 v0, v4;
	_ =	sdelay $0x4  }
0x12a: {  	[tilespmem:v6+s18+$0x0] =	vst.idx.msk $0xffff, v5  }
0x12b: {  	v62 =	vadd.s32 v1, v4;
	v5 =	vld [tilespmem:s24+$0x50];
	_ =	sdelay $0x4  }
0x12c: {  	[tilespmem:v62+s18+$0x0] =	vst.idx.msk $0xffff, v5  }
0x12d: {  	v63 =	vadd.s32 v2, v4;
	v5 =	vld [tilespmem:s24+$0x60];
	_ =	sdelay $0x4  }
0x12e: {  	[tilespmem:v63+s18+$0x0] =	vst.idx.msk $0xffff, v5  }
0x12f: {  	v4 =	vadd.s32 v3, v4;
	v5 =	vld [tilespmem:s24+$0x70];
	_ =	sdelay $0x1  }
0x130: {  	s23 =	sadd.s32 s3, s23  }
0x131: {  	s23 =	smul.u32 $0x640, s23;
	_ =	sdelay $0x1  }
0x132: {  	s25 =	simm.s32 $0x19;
	s26 =	simm.s32 $0xFCD0;
	s23 =	sadd.s32 s2, s23;
	[tilespmem:v4+s18+$0x0] =	vst.idx.msk $0xffff, v5  }
0x133: {  	s28 =	sadd.s32 $0x0, s23;
	s24 =	simm.s32 $0xFC00;
	_ =	strace $0x9000004D  }
.LBB2_9:
0x134: {  	[hbm4b:s28+s4] =	stream.linear.scatter [tilespmem:s24], [sflag:$0x4], $0xC8, $0x38;
	[tilespmem:$0x13000] =	vst v63  }
0x135: {  	s28 =	smov.u32 s25;
	s24 =	smov.u32 s26;
	p0 =	sne.s32 s25, $0x627  }
.Ltmp3:
0x136: {  	s25 =	sadd.s32 $0x19, s25;
	(pc) =	sbr.rel @p0 .LBB2_9-.Ltmp3, $2  }
0x137: {  	_ =	sdelay $0x2  }
0x138: {  	s26 =	sadd.s32 $0xD0, s26;
	s28 =	sadd.s32 s28, s23  }
0x139: {  	s22 =	sadd.s32 $0x1, s22  }
0x13a: {  	p0 =	sne.s32 s22, $0x40  }
.Ltmp4:
0x13b: {  	_ = 	snop;
	(pc) =	sbr.rel @p0 .LBB2_2-.Ltmp4, $2  }
0x13c: {  	_ =	sdelay $0x2  }
0x13d: {  	[hbm4b:s28+s4] =	stream.linear.scatter [tilespmem:s24], [sflag:$0x4], $0xC8, $0x38;
	[tilespmem:$0x13000] =	vst v63  }
0x13e: {  	s21 =	sadd.s32 $0x1, s21  }
0x13f: {  	_ =	swait.ge [sflag:s19], $0x3200;
	p0 =	sne.s32 s21, s7  }
.Ltmp5:
0x140: {  	[sflag:s19] =	ssyncset.done $0x0;
	(pc) =	sbr.rel @p0 .LBB2_1-.Ltmp5, $4  }
0x141: {  	[sflag:s19] =	ssyncadd.s32 $0xFFFFCE00  }
0x142: {  	_ =	swait.ge [sflag:s20], $0x3200  }
0x143: {  	[sflag:s20] =	ssyncset.done $0x0  }
0x144: {  	[sflag:s20] =	ssyncadd.s32 $0xFFFFCE00  }
0x145: {  	_ =	sfence.sel $0x180000  }
0x146: {  	[bflag:$0x0] =	sbarrier.arrive $0xFFFF  }
0x147: {  	p0 =	sne.s32 s0, $0x0;
	_ =	strace $0x90000047  }
0x148: {  	s0 =	sadd.s32 @!p0 $0x100000, s1;
	[bflag:$0x2] =	sbarrier.arrive $0xFFFF  }
0x149: {  	[sflag:s0] =	ssyncadd.tile.s32 @!p0 $0x1;
	_ =	shalt  }
.Lfunc_end2:
_tile_overlayer_lowered:
.L_overlay_start_2:
0x14a: {  	(tag) =	ssettag $0x2  }
0x14b: {  	s0 =	rddreg [dreg:$0x0];
	s2 =	stileid.u32  }
0x14c: {  	s1 =	rddreg [dreg:$0x1];
	p0 =	sne.s32 s2, $0x0  }
0x14d: {  	s3 =	rddreg [dreg:$0x2];
	[bflag:$0x3] =	sbarrier.arrive $0xFFFF;
	s2 =	simm.s32 @!p0 $0x1C05  }
0x14e: {  	[timem:s3], [sflag:s2] =	dma.local @!p0 [hbm:s0], s1  }
0x14f: {  	s0 =	simm.s32 @!p0 $0x5  }
0x150: {  	_ =	swait.ge @!p0 [sflag:s0], s1  }
0x151: {  	s1 =	ssub.s32 @!p0 $0x0, s1;
	[sflag:s0] =	ssyncset.done @!p0 $0x0  }
0x152: {  	[sflag:s0] =	ssyncadd.s32 @!p0 s1  }
0x153: {  	[bflag:$0x3] =	sbarrier.arrive $0xFFFF  }
0x154: {  	_ =	shalt  }

// kernel: sparse-core-data-format-call.cloned.1.call-start
scs
called_computation_lowered:
.L_overlay_start_0:
0x0: {  	s2 =	sld [smem:$0x3FD9]  }
0x1: {  	s3 =	sld [smem:$0x3FFE];
	_ =	sdelay $0x1  }
0x2: {  	s1 =	srdreg.scid  }
0x3: {  	s0 =	sand.u32 $0x1, s1  }
0x4: {  	s18 =	sshll.u32 s0, $0xA;
	s2 =	sadd.s32 s3, s2  }
0x5: {  	s2 =	sadd.s32 s2, s18  }
0x6: {  	[smem:$0x3FC6] =	sst s2  }
0x7: {  	_ = 	snop  }
0x8: {  	s2 =	sld [smem:$0x3FD0];
	(tm) =	ssettm $0x1  }
0x9: {  	s19 =	sld [smem:$0x3FFB];
	_ =	sdelay $0x3  }
0xa: {  	_ =	strace s19  }
0xb: {  	s3 =	sld [smem:$0x3FFC];
	_ =	sdelay $0x3  }
0xc: {  	_ =	strace s3  }
0xd: {  	s3 =	sld [smem:$0x3FFD];
	_ =	sdelay $0x3  }
0xe: {  	_ =	strace s3  }
0xf: {  	_ =	strace $0x8FFFFFFF  }
0x10: {  	s20 =	sld [smem:$0x3FDB];
	_ =	sdelay $0x1  }
0x11: {  	s4 =	simm.s32 $_scs_section_size  }
0x12: {  	s5 =	simm.s32 $_size__tile_overlayer_lowered;
	s6 =	simm.s32 $_tile_overlayer_lowered  }
0x13: {  	s23 =	simm.s32 $0x1BFF;
	s22 =	sshll.u32 s6, $0x1;
	s3 =	sadd.s32 s4, s20  }
0x14: {  	s7 =	simm.s32 $0x0;
	s21 =	sshll.u32 s5, $0x1;
	s5 =	sadd.s32 s22, s3  }
0x15: {  	[timem:s7], [sflag:s23] =	dma.local [hbm:s5], s21  }
0x16: {  	_ =	swait.ge [sflag:s23], s21  }
0x17: {  	s4 =	ssub.s32 $0x0, s21;
	[sflag:s23] =	ssyncset.done $0x0  }
0x18: {  	[sflag:s23] =	ssyncadd.s32 s4;
	_ =	sdelay $0x1  }
0x19: {  	s24 =	simm.s32 $0x1B8B  }
0x1a: {  	_ =	swait.ge [sflag:s24], $0x1  }
0x1b: {  	[sflag:s24] =	ssyncset.done $0x0  }
0x1c: {  	s26 =	simm.s32 $0x1B8E;
	s25 =	sld [smem:$0x3FFE];
	[sflag:s24] =	ssyncadd.s32 $0xFFFFFFFF  }
0x1d: {  	s27 =	simm.s32 $execute0_lowered;
	[smem:$0x3FD2] =	sst s26  }
0x1e: {  	s5 =	sshll.u32 s27, $0x1;
	_ =	strace $0x8000004F;
	[dreg:$0x1] =	wrdreg $0xFFFFFFFF  }
0x1f: {  	s28 =	simm.s32 $_size_execute0_lowered;
	s3 =	sadd.s32 s3, s5;
	[dreg:$0x0] =	wrdreg $0x0  }
0x20: {  	s5 =	sshll.u32 s28, $0x1;
	[dreg:$0x2] =	wrdreg s3  }
0x21: {  	[dreg:$0x3] =	wrdreg s5  }
0x22: {  	[dreg:$0x4] =	wrdreg $0xC0  }
0x23: {  	_ =	task [dreg:s7], $0x5FFFF  }
0x24: {  	[dreg:$0x1] =	wrdreg $0xFFFFFFFF  }
0x25: {  	[dreg:$0x0] =	wrdreg $0x60  }
0x26: {  	[dreg:$0x2] =	wrdreg s25  }
0x27: {  	[dreg:$0x3] =	wrdreg s2  }
0x28: {  	[dreg:$0x4] =	wrdreg $0x9  }
0x29: {  	_ =	task.clear_ibuf [dreg:s7], $0x5FFFF;
	_ =	strace $0x9000004F  }
0x2a: {  	s29 =	simm.s32 $0x9;
	_ =	strace $0x80000051  }
0x2b: {  	_ =	swait.ge [sflag:s29], $0x1  }
0x2c: {  	[sflag:s29] =	ssyncadd.s32 $0xFFFFFFFF  }
0x2d: {  	_ =	strace $0x90000051  }
0x2e: {  	_ =	sfence  }
0x2f: {  	s30 =	sld [smem:$0x0];
	_ =	sdelay $0x2  }
0x30: {  	s31 =	sshll.u32 s1, $0xD;
	s1 =	sshrl.u32 s1, $0x2  }
0x31: {  	s3 =	sand.u32 $0x4000, s31;
	s1 =	sadd.s32 s1, s30  }
0x32: {  	s0 =	sor.u32 s3, s0;
	s1 =	sshll.u32 s1, $0x11  }
0x33: {  	s0 =	sor.u32 s1, s0  }
0x34: {  	s0 =	sadd.s32 $0x8F2B, s0  }
0x35: {  	[sflag:s0] =	ssyncadd.remote.s32 $0x1  }
0x36: {  	_ =	sfence.sel $0xFFFF  }
0x37: {  	[dreg:$0x0] =	wrdreg $0xFFFFFFFF;
	(pc) =	sbr.abs _section_cstart, $3  }
0x38: {  	[dreg:$0x1] =	wrdreg $0xFFFFFFFF  }
0x39: {  	_ =	task.clear_ibuf [dreg:s7], $0x2FFFF;
	_ =	strace $0x9FFFFFFF  }
0x3a: {  	(tm) =	ssettm $0x7FFFFFFF  }
0x3b: {  	_ =	shalt  }
tec
execute0_lowered:
.L_overlay_start_1:
0x0: {  	(tag) =	ssettag $0x1  }
0x1: {  	s5 =	rddreg [dreg:$0x0]  }
0x2: {  	s0 =	srdreg.scid;
	s3 =	rddreg [dreg:$0x1];
	s7 =	simm.s32 $0x1  }
0x3: {  	s8 =	simm.s32 $0x2;
	s16 =	simm.s32 $0x0;
	s1 =	sshll.u32 s0, $0x4  }
0x4: {  	s18 =	simm.s32 $0x0;
	s0 =	stileid.u32;
	s1 =	sand.u32 $0x10, s1  }
0x5: {  	s17 =	simm.s32 $0x0;
	s9 =	simm.s32 $0x0;
	s1 =	sor.u32 s0, s1  }
0x6: {  	s10 =	simm.s32 $0x0;
	s11 =	simm.s32 $0x0;
	s2 =	sshll.u32 s1, $0x7  }
0x7: {  	s12 =	simm.s32 $0x0;
	s13 =	simm.s32 $0x0;
	s6 =	ssub.s32 $0x1000, s2  }
0x8: {  	s15 =	simm.s32 $0x0;
	s5 =	sadd.s32 $0x800, s5;
	s4 =	sand.u32 $0xF80, s6  }
.Ltmp0:
0x9: {  	s1 =	rddreg [dreg:$0x2];
	p0 =	sne.s32 s4, $0x0;
	(pc) =	sbr.rel .LBB1_1-.Ltmp0, $4  }
0xa: {  	_ =	strace $0x80000050;
	s6 =	sshrl.u32 s6, $0xC;
	s7 =	simm.s32 @!p0 $0x0  }
0xb: {  	s14 =	smov.u32 s2;
	s4 =	simm.s32 $0x1;
	s6 =	sadd.s32 s7, s6  }
0xc: {  	[sflag:s4] =	ssyncpa.u1 $0x0;
	p0 =	por $0x0, $0x0;
	s6 =	sshll.u32 s6, $0x7  }
0xd: {  	[sflag:s8] =	ssyncpa.u1 $0x0;
	s8 =	simm.s32 $0x8000;
	s7 =	sor.u32 $0x1, s6  }
.LBB1_4:
0xe: {  	s23 =	sshra.s32 s23, $0x2;
	s30 =	sshll.u32 s9, $0xC  }
0xf: {  	p1 =	sgt.s32 s10, $0x3F;
	s24 =	smov.u32 s10;
	s25 =	sshra.s32 s10, $0x1F  }
0x10: {  	s26 =	sshll.u32 s11, $0x3;
	s28 =	smov.u32 s11;
	s29 =	sshra.s32 s11, $0x1F  }
0x11: {  	s22 =	sadd.s32 s23, s22;
	s24 =	simm.s32 @!p1 $0x3F;
	s25 =	sand.u32 s25, s10  }
0x12: {  	s23 =	sand.u32 $0xFFFF8000, s30;
	s27 =	sand.u32 $0xFFFFFC00, s26;
	p1 =	sgt.s32 s9, $0x48  }
0x13: {  	s31 =	sand.u32 s29, s11;
	s29 =	sshll.u32 s9, $0x7;
	s30 =	sshra.s32 s9, $0x1F  }
0x14: {  	[tilespmem:s21+$0x2040 ss:$0x81] =	vst.msk $0xffff, v4;
	s24 =	ssub.s32 s24, s25;
	s23 =	sadd.s32 s27, s23;
	s27 =	smov.u32 s9  }
0x15: {  	[tilespmem:s21+$0x2850 ss:$0x81] =	vst.msk $0xffff, v3;
	s29 =	sand.u32 $0x380, s29;
	s25 =	sadd.s32 $0xFFFFFFC1, s24;
	s27 =	simm.s32 @!p1 $0x48  }
0x16: {  	v5 =	vld [tilespmem:s20+$0xFFFFFFD0];
	[tilespmem:s21+$0x3060 ss:$0x81] =	vst.msk $0xffff, v2;
	p1 =	sgt.s32 s11, $0xF80;
	s23 =	sshrl.u32 s23, $0xC;
	s24 =	ssub.s32 $0x40, s24  }
0x17: {  	v58 =	vld [tilespmem:s20+$0xFFFFFFE0];
	[tilespmem:s21+$0x0 ss:$0x81] =	vst.msk $0xffff, v1;
	s28 =	simm.s32 @!p1 $0xF80;
	p1 =	sgt.s32 s25, $0x0;
	s21 =	smulhi.u32 $0x147AE15, s23  }
0x18: {  	v59 =	vld [tilespmem:s20+$0xFFFFFFF0];
	s25 =	ssub.s32 s28, s31;
	s28 =	sand.u32 s30, s9;
	s24 =	simm.s32 @p1 $0x0  }
0x19: {  	v60 =	vld [tilespmem:s20+$0x0];
	s27 =	ssub.s32 s27, s28;
	s31 =	sadd.s32 $0xFFFFF080, s25;
	s25 =	ssub.s32 $0x1000, s25  }
0x1a: {  	v61 =	vld [tilespmem:s20+$0x10];
	[tilespmem:s22+$0x3870 ss:$0x81] =	vst.msk $0xffff, v0;
	s21 =	smul.u32 $0xC8, s21;
	s28 =	sand.u32 $0x7, s11;
	p1 =	sgt.s32 s31, $0x7F  }
0x1b: {  	v62 =	vld [tilespmem:s20+$0x20];
	[tilespmem:s22+$0x810 ss:$0x81] =	vst.msk $0xffff, v5;
	s30 =	sadd.s32 $0xFFFFFFB8, s27;
	s31 =	sand.u32 $0x78, s11;
	s25 =	simm.s32 @p1 $0x0  }
0x1c: {  	v63 =	vld [tilespmem:s20+$0xFFFFFFC0];
	[tilespmem:s22+$0x1020 ss:$0x81] =	vst.msk $0xffff, v58;
	p1 =	sgt.s32 s30, $0x7F;
	s30 =	sand.u32 $0xC00, s26;
	s24 =	smul.u32 s25, s24  }
0x1d: {  	[tilespmem:s22+$0x1830 ss:$0x81] =	vst.msk $0xffff, v59;
	s26 =	ssub.s32 $0xC8, s27;
	s20 =	sor.u32 s31, s30;
	s31 =	smul.u32 $0x19000, s10  }
0x1e: {  	[tilespmem:s22+$0x2040 ss:$0x81] =	vst.msk $0xffff, v60;
	s21 =	ssub.s32 s23, s21;
	s26 =	simm.s32 @p1 $0x0;
	s20 =	sor.u32 s29, s20  }
0x1f: {  	[tilespmem:s22+$0x2850 ss:$0x81] =	vst.msk $0xffff, v61;
	s26 =	smul.u32 s26, s24;
	s20 =	sshrl.u32 s20, $0x3;
	s27 =	sadd.s32 s3, s31  }
0x20: {  	[tilespmem:s22+$0x3060 ss:$0x81] =	vst.msk $0xffff, v62;
	s21 =	sshll.u32 s21, $0x9;
	s29 =	sshll.u32 s28, $0x12;
	s20 =	sadd.s32 s20, s27  }
0x21: {  	[tilespmem:s22+$0x0 ss:$0x81] =	vst.msk $0xffff, v63;
	s31 =	sor.u32 $0x400, s29;
	s30 =	sand.u32 $0x3FFFFFFF, s26;
	s20 =	sadd.s32 s21, s20  }
0x22: {  	[hbm4b:s20+s31] =	stream.strided.scatter [tilespmem:s19], [sflag:$0x2], s30, s8, s31, $0x20;
	[tilespmem:$0x10100] =	vst v63  }
.LBB1_5:
0x23: {  	p1 =	slt.u32 s15, $0x2  }
0x24: {  	p2 =	sgt.s32 @!p1 s18, $0x3F  }
0x25: {  	s19 =	smov.u32 s18;
	s20 =	sshra.s32 @!p1 s18, $0x1F;
	p2 =	por !p2, p1  }
0x26: {  	s18 =	sand.u32 @!p1 s20, s18;
	s19 =	simm.s32 @p2 $0x3F  }
0x27: {  	p3 =	sgt.s32 @!p1 s16, $0x48;
	s18 =	ssub.s32 @!p1 s19, s18  }
0x28: {  	p4 =	sgt.s32 @!p1 s17, $0xF80;
	s21 =	sshra.s32 @!p1 s17, $0x1F;
	s19 =	sadd.s32 @!p1 $0xFFFFFFC1, s18  }
0x29: {  	s20 =	smov.u32 s16;
	p2 =	sgt.s32 @!p1 s19, $0x0;
	s19 =	sshra.s32 @!p1 s16, $0x1F  }
0x2a: {  	p4 =	por !p4, p1;
	s16 =	sand.u32 @!p1 s19, s16;
	s19 =	smov.u32 s17  }
0x2b: {  	p3 =	por !p3, p1;
	s17 =	sand.u32 @!p1 s21, s17;
	s19 =	simm.s32 @p4 $0xF80  }
0x2c: {  	s20 =	simm.s32 @p3 $0x48;
	s18 =	ssub.s32 @!p1 $0x40, s18;
	s17 =	ssub.s32 @!p1 s19, s17  }
0x2d: {  	p2 =	por !p2, p1;
	s16 =	ssub.s32 @!p1 s20, s16;
	s20 =	sadd.s32 @!p1 $0xFFFFF080, s17  }
0x2e: {  	s18 =	simm.s32 @!p2 $0x0;
	p3 =	sgt.s32 @!p1 s20, $0x7F  }
0x2f: {  	s19 =	sadd.s32 @!p1 $0xFFFFFFB8, s16;
	s17 =	ssub.s32 @!p1 $0x1000, s17;
	p3 =	por !p3, p1  }
0x30: {  	p2 =	sgt.s32 @!p1 s19, $0x7F;
	s19 =	sadd.s32 $0x80, s12;
	s17 =	simm.s32 @!p3 $0x0  }
0x31: {  	p3 =	sgt.s32 s19, $0xC7;
	s17 =	smul.u32 @!p1 s17, s18;
	s18 =	simm.s32 $0x1  }
0x32: {  	s16 =	ssub.s32 @!p1 $0xC8, s16;
	p2 =	por !p2, p1;
	s18 =	simm.s32 @!p3 $0x0  }
0x33: {  	s21 =	smov.u32 s14;
	s16 =	simm.s32 @!p2 $0x0;
	s20 =	sadd.s32 s18, s13  }
0x34: {  	s16 =	smul.u32 @!p1 s16, s17;
	s17 =	sadd.s32 $0x1000, s14;
	p2 =	sgt.s32 s20, $0x3F  }
0x35: {  	p0 =	por !p0, !p0;
	s22 =	simm.s32 @!p1 $0x2;
	s21 =	smov.u32 @p2 s17  }
0x36: {  	s19 =	simm.s32 @p3 $0x0;
	s20 =	simm.s32 @p2 $0x0;
	p2 =	sgt.s32 s21, $0xFFF  }
0x37: {  	s18 =	smov.u32 s10;
	s21 =	smov.u32 @p2 s2;
	p2 =	sne.s32 s15, s7  }
.Ltmp1:
0x38: {  	s10 =	smov.u32 s13;
	s16 =	sand.u32 @!p1 $0x3FFFFFFF, s16;
	(pc) =	sbr.rel @!p2 .LBB1_6-.Ltmp1, $4  }
0x39: {  	s17 =	smov.u32 s11;
	s11 =	smov.u32 s14;
	_ =	swait.ge @!p1 [sflag:s22], s16  }
0x3a: {  	s23 =	ssub.s32 @!p1 $0x0, s16;
	s16 =	smov.u32 s9;
	s9 =	smov.u32 s12  }
0x3b: {  	s12 =	smov.u32 s19;
	s13 =	smov.u32 s20;
	[sflag:s22] =	ssyncset.done @!p1 $0x0  }
0x3c: {  	s15 =	sadd.s32 $0x1, s15;
	[sflag:s22] =	ssyncadd.s32 @!p1 s23;
	s14 =	smov.u32 s21  }
.LBB1_1:
0x3d: {  	p1 =	sge.u32 s15, s6  }
0x3e: {  	s31 =	sadd.s32 $0xFFFFFFFF, s15;
	s19 =	sxor.u32 @!p1 $0xFFFFFFFF, s15  }
0x3f: {  	s20 =	sshll.u32 @!p1 s13, $0x8;
	s21 =	sshll.u32 @!p1 s12, $0x3;
	s22 =	sshll.u32 @!p1 s13, $0x7  }
0x40: {  	s23 =	sand.u32 @!p1 $0x78, s12;
	s20 =	sand.u32 @!p1 $0x3800, s20;
	s21 =	sand.u32 @!p1 $0x3C00, s21  }
0x41: {  	s19 =	sshll.u32 @!p1 s19, $0xE;
	s20 =	sadd.s32 @!p1 s20, s21;
	s21 =	sand.u32 @!p1 $0x300, s22  }
0x42: {  	s19 =	sand.u32 @!p1 $0x4000, s19;
	s20 =	sor.u32 @!p1 s21, s20;
	s21 =	sand.u32 @!p1 $0x80, s22  }
0x43: {  	s22 =	sshll.u32 @!p1 s14, $0xB;
	s21 =	sor.u32 @!p1 s23, s21;
	s20 =	sshrl.u32 @!p1 s20, $0x3  }
0x44: {  	s22 =	sadd.s32 @!p1 s5, s22;
	s23 =	sand.u32 @!p1 $0x7, s12;
	s21 =	sshrl.u32 @!p1 s21, $0x3  }
0x45: {  	s20 =	sand.u32 @!p1 $0x7E0, s20;
	s21 =	sadd.s32 @!p1 s21, s22;
	s22 =	sshll.u32 @!p1 s23, $0x12  }
0x46: {  	s20 =	sadd.s32 @!p1 s20, s21;
	s21 =	sor.u32 @!p1 $0x80, s22;
	s22 =	simm.s32 @!p1 $0x4000  }
0x47: {  	[tilespmem:s19], [sflag:$0x1] =	stream.strided.gather @!p1 [hbm4b:s20+s21], $0x4000, s22, s21, $0x38;
	[tilespmem:$0x10100] =	vst v63  }
0x48: {  	p1 =	sge.u32 s31, s6  }
.Ltmp2:
0x49: {  	_ = 	snop;
	(pc) =	sbr.rel @p1 .LBB1_5-.Ltmp2, $1  }
0x4a: {  	_ =	sdelay $0x3  }
0x4b: {  	s19 =	simm.s32 $0x1  }
0x4c: {  	_ =	swait.ge [sflag:s4], $0x4000;
	s19 =	simm.s32 @!p0 $0x0  }
0x4d: {  	[sflag:s4] =	ssyncset.done $0x0;
	s20 =	sshll.u32 s19, $0xE  }
0x4e: {  	[sflag:s4] =	ssyncadd.s32 $0xFFFFC000;
	s20 =	sor.u32 $0x40, s20  }
0x4f: {  	s19 =	smul.u32 $0x10200, s19;
	v0 =	vld [tilespmem:s20+$0x30]  }
0x50: {  	v1 =	vld [tilespmem:s20+$0xFFFFFFD0]  }
0x51: {  	s19 =	sshrl.u32 s19, $0x2;
	v5 =	vld [tilespmem:s20+$0xFFFFFFE0]  }
0x52: {  	v6 =	vld [tilespmem:s20+$0xFFFFFFF0];
	s22 =	sor.u32 $0x8000, s19  }
0x53: {  	s31 =	sand.u32 $0x1, s15;
	v4 =	vld [tilespmem:s20+$0x0];
	s21 =	sadd.s32 $0x0, s22  }
0x54: {  	v3 =	vld [tilespmem:s20+$0x10];
	s19 =	smul.u32 $0x10200, s31;
	[tilespmem:s21+$0x3870 ss:$0x81] =	vst.msk $0xffff, v0  }
0x55: {  	v2 =	vld [tilespmem:s20+$0x20];
	[tilespmem:s21+$0x810 ss:$0x81] =	vst.msk $0xffff, v1  }
0x56: {  	s19 =	sshrl.u32 s19, $0x2;
	v1 =	vld [tilespmem:s20+$0xFFFFFFC0];
	[tilespmem:s21+$0x1020 ss:$0x81] =	vst.msk $0xffff, v5;
	s20 =	sadd.s32 $0x80, s20  }
0x57: {  	s23 =	simm.s32 $0x4;
	s24 =	simm.s32 $0x8;
	s19 =	sor.u32 $0x8000, s19;
	[tilespmem:s21+$0x1830 ss:$0x81] =	vst.msk $0xffff, v6;
	v0 =	vld [tilespmem:s20+$0x30]  }
.LBB1_3:
0x58: {  	p1 =	sne.s32 s24, $0x1FC;
	v5 =	vld [tilespmem:s20+$0xFFFFFFD0];
	[tilespmem:s21+$0x2040 ss:$0x81] =	vst.msk $0xffff, v4  }
0x59: {  	v6 =	vld [tilespmem:s20+$0xFFFFFFE0];
	[tilespmem:s21+$0x2850 ss:$0x81] =	vst.msk $0xffff, v3  }
0x5a: {  	s25 =	sshra.s32 s23, $0x2;
	s23 =	smov.u32 s24;
	v7 =	vld [tilespmem:s20+$0xFFFFFFF0];
	[tilespmem:s21+$0x3060 ss:$0x81] =	vst.msk $0xffff, v2  }
.Ltmp3:
0x5b: {  	v4 =	vld [tilespmem:s20+$0x0];
	[tilespmem:s21+$0x0 ss:$0x81] =	vst.msk $0xffff, v1;
	s21 =	sadd.s32 s25, s22;
	(pc) =	sbr.rel @p1 .LBB1_3-.Ltmp3, $4  }
0x5c: {  	v3 =	vld [tilespmem:s20+$0x10];
	[tilespmem:s21+$0x3870 ss:$0x81] =	vst.msk $0xffff, v0  }
0x5d: {  	[tilespmem:s21+$0x810 ss:$0x81] =	vst.msk $0xffff, v5;
	v2 =	vld [tilespmem:s20+$0x20]  }
0x5e: {  	v1 =	vld [tilespmem:s20+$0xFFFFFFC0];
	[tilespmem:s21+$0x1020 ss:$0x81] =	vst.msk $0xffff, v6;
	s20 =	sadd.s32 $0x80, s20  }
0x5f: {  	s24 =	sadd.s32 $0x4, s24;
	v0 =	vld [tilespmem:s20+$0x30];
	[tilespmem:s21+$0x1830 ss:$0x81] =	vst.msk $0xffff, v7  }
.Ltmp4:
0x60: {  	_ = 	snop;
	(pc) =	sbr.rel .LBB1_4-.Ltmp4, $1  }
0x61: {  	_ =	sdelay $0x3  }
.LBB1_6:
0x62: {  	_ =	sfence.sel $0x180000  }
0x63: {  	s2 =	simm.s32 $0x1;
	[bflag:$0x0] =	sbarrier.arrive $0xFFFF  }
0x64: {  	s31 =	simm.s32 $0x2;
	[sflag:s2] =	ssyncpa.u1 $0x1  }
0x65: {  	[sflag:s31] =	ssyncpa.u1 $0x1  }
0x66: {  	p0 =	sne.s32 s0, $0x0;
	_ =	strace $0x90000050  }
0x67: {  	s0 =	sadd.s32 @!p0 $0x100000, s1;
	[bflag:$0x2] =	sbarrier.arrive $0xFFFF  }
0x68: {  	[sflag:s0] =	ssyncadd.tile.s32 @!p0 $0x1;
	_ =	shalt  }
.Lfunc_end1:
_tile_overlayer_lowered:
.L_overlay_start_2:
0x69: {  	(tag) =	ssettag $0x2  }
0x6a: {  	s0 =	rddreg [dreg:$0x0];
	s2 =	stileid.u32  }
0x6b: {  	s1 =	rddreg [dreg:$0x1];
	p0 =	sne.s32 s2, $0x0  }
0x6c: {  	s3 =	rddreg [dreg:$0x2];
	[bflag:$0x3] =	sbarrier.arrive $0xFFFF;
	s2 =	simm.s32 @!p0 $0x1C01  }
0x6d: {  	[timem:s3], [sflag:s2] =	dma.local @!p0 [hbm:s0], s1  }
0x6e: {  	s0 =	simm.s32 @!p0 $0x1  }
0x6f: {  	_ =	swait.ge @!p0 [sflag:s0], s1  }
0x70: {  	s1 =	ssub.s32 @!p0 $0x0, s1;
	[sflag:s0] =	ssyncset.done @!p0 $0x0  }
0x71: {  	[sflag:s0] =	ssyncadd.s32 @!p0 s1  }
0x72: {  	[bflag:$0x3] =	sbarrier.arrive $0xFFFF  }
0x73: {  	_ =	shalt  }

</sc_bundles>
